<compile_context>
chip_gen: v7x
topology: tpu7x:2x2x1
jax: 0.10.2.dev20260603
libtpu: 0.0.44.dev20260713+nightly
codegen_flags: <defaults>
</compile_context>

<pallas_src>
import functools

import jax
import jax.numpy as jnp
from jax import lax
from jax.experimental import pallas as pl
from jax.experimental.pallas import tpu as pltpu
from jax.experimental.pallas import tpu_sc as plsc

_L = 16
_NEG = -3.4e38


@functools.lru_cache(maxsize=None)
def _make_sparsemax(R, N):
  info = plsc.get_sparse_core_info()
  NC, NS = info.num_cores, info.num_subcores
  NW = NC * NS
  assert R % (2 * NW) == 0 and N % _L == 0
  RPW = R // NW
  PAIRS = RPW // 2
  NCHUNK = N // _L

  mesh = plsc.VectorSubcoreMesh(core_axis_name="c", subcore_axis_name="s")

  @functools.partial(
      pl.kernel,
      out_type=jax.ShapeDtypeStruct((R, N), jnp.float32),
      mesh=mesh,
      scratch_types=[
          pltpu.VMEM((N,), jnp.float32),
          pltpu.VMEM((N,), jnp.float32),
          pltpu.VMEM((N,), jnp.float32),
          pltpu.VMEM((N,), jnp.float32),
          pltpu.VMEM((N + _L,), jnp.int32),
          pltpu.SemaphoreType.DMA,
          pltpu.SemaphoreType.DMA,
          pltpu.SemaphoreType.DMA,
          pltpu.SemaphoreType.DMA,
      ],
      compiler_params=pltpu.CompilerParams(needs_layout_passes=False),
  )
  def ker(x_hbm, out_hbm, zbuf0, zbuf1, obuf0, obuf1, idxs,
          sin0, sin1, sout0, sout1):
    cid = lax.axis_index("c")
    sid = lax.axis_index("s")
    base = (sid * NC + cid) * RPW

    zf = jnp.zeros((_L,), jnp.float32)
    zi = jnp.zeros((_L,), jnp.int32)
    iota = lax.iota(jnp.int32, _L)
    negv = jnp.full((_L,), _NEG, jnp.float32)

    def scal(v):
      return lax.squeeze(lax.slice(v, (0,), (1,)), (0,))

    def process_row(zbuf, obuf):
      U1 = 8
      def mx(i, accs):
        res = []
        for u in range(U1):
          b = (i * U1 + u) * _L
          obuf[pl.ds(b, _L)] = zf
          res.append(jnp.maximum(accs[u], zbuf[pl.ds(b, _L)]))
        return tuple(res)
      accs = lax.fori_loop(0, NCHUNK // U1, mx, (negv,) * U1)
      acc = functools.reduce(jnp.maximum, accs)
      thr = jnp.full((_L,), jnp.max(acc), jnp.float32) - 1.0

      G = 8
      def flt(g, carry):
        cnt, iv = carry
        ms = []
        m_or = None
        for u in range(G):
          v = zbuf[pl.ds((g * G + u) * _L, _L)]
          m = v > thr
          ms.append(m)
          m_or = m if m_or is None else jnp.logical_or(m_or, m)
        cnts = [cnt]
        for u in range(G):
          cnts.append(cnts[-1] + ms[u].astype(jnp.int32))
        pc = plsc.all_reduce_population_count(m_or)

        @pl.when(scal(pc) > 0)
        def _():
          for u in range(G):
            plsc.store_scatter(idxs, [cnts[u] * _L + iota],
                               iv + u * _L, mask=ms[u])
        return (cnts[-1], iv + G * _L)
      cnt, _ = lax.fori_loop(0, NCHUNK // G, flt, (zi, iota))
      maxc = jnp.max(cnt)

      def gather_cand(i, lm):
        ix = idxs[pl.ds(i * _L, _L)]
        return ix, plsc.load_gather(zbuf, [ix], mask=lm)

      def w_cond(st):
        return jnp.logical_not(st[2])

      def w_body(st):
        tau, c_prev, _ = st
        def ch(i, carry):
          sa, ca = carry
          lm = i < cnt
          _, v = gather_cand(i, lm)
          m = jnp.logical_and(v > tau, lm)
          return (sa + jnp.where(m, v, zf), ca + m.astype(jnp.int32))
        sa, ca = lax.fori_loop(0, maxc, ch, (zf, zi))
        c = jnp.sum(ca)
        tau_new = (jnp.full((_L,), jnp.sum(sa), jnp.float32) - 1.0) / (
            jnp.full((_L,), c, jnp.int32).astype(jnp.float32))
        return (tau_new, c, c == c_prev)

      tau, _, _ = lax.while_loop(
          w_cond, w_body,
          (thr, jnp.asarray(-1, jnp.int32), jnp.asarray(False)))

      def outp(i, carry):
        lm = i < cnt
        ix, v = gather_cand(i, lm)
        m = jnp.logical_and(v > tau, lm)
        plsc.store_scatter(obuf, [ix], v - tau, mask=m)
        return carry
      lax.fori_loop(0, maxc, outp, 0)

    def row_pair(j, carry):
      r0 = base + 2 * j
      r1 = r0 + 1
      pltpu.make_async_copy(x_hbm.at[r0], zbuf0, sin0).wait()
      pltpu.make_async_copy(x_hbm.at[r1], zbuf1, sin1).start()

      @pl.when(j > 0)
      def _():
        pltpu.make_async_copy(obuf0, out_hbm.at[r0 - 2], sout0).wait()
      process_row(zbuf0, obuf0)
      pltpu.make_async_copy(obuf0, out_hbm.at[r0], sout0).start()

      pltpu.make_async_copy(x_hbm.at[r1], zbuf1, sin1).wait()

      @pl.when(j < PAIRS - 1)
      def _():
        pltpu.make_async_copy(x_hbm.at[r1 + 1], zbuf0, sin0).start()

      @pl.when(j > 0)
      def _():
        pltpu.make_async_copy(obuf1, out_hbm.at[r1 - 2], sout1).wait()
      process_row(zbuf1, obuf1)
      pltpu.make_async_copy(obuf1, out_hbm.at[r1], sout1).start()
      return carry

    pltpu.make_async_copy(x_hbm.at[base], zbuf0, sin0).start()
    lax.fori_loop(0, PAIRS, row_pair, 0)
    pltpu.make_async_copy(obuf0, out_hbm.at[base + RPW - 2], sout0).wait()
    pltpu.make_async_copy(obuf1, out_hbm.at[base + RPW - 1], sout1).wait()

  return ker


@jax.jit
def _sparsemax2d(x):
  return _make_sparsemax(*x.shape)(x)


def kernel(inputs, mask):
  del mask
  b, q, n = inputs.shape
  return _sparsemax2d(inputs.reshape(b * q, n)).reshape(b, q, n)

# --- scband reference (transcript-rebuilt; emitter-appended) ---
"""Pipeline reference for scband-sparse-max-8091718386028 (READ-ONLY COPY).

The authoritative reference and input builder live on the scoring server;
editing this copy changes nothing except your own understanding.
"""

import jax, jax.numpy as jnp
import numpy as np

SMALL_NUMBER = 1e-7
BIG_NUMBER = 1e10
EPSILON = 0.0

def setup_inputs(seed: int = 0) -> dict:
    key = jax.random.key(seed)
    k1, k2 = jax.random.split(key)
    inputs = jax.random.normal(k1, (64, 32, 8192), dtype=jnp.float32)
    mask = jnp.ones((64, 32, 8192), dtype=jnp.float32)
    return {"inputs": inputs, "mask": mask}

def reference(inputs, mask):
    z = inputs
    dims = z.shape[-1]
    # top_k over last dim == descending sort of full dim
    z_sorted, _ = jax.lax.top_k(z, dims)
    partial_sums = jnp.cumsum(z_sorted, axis=-1)
    k = jnp.arange(1, dims + 1, dtype=z.dtype)
    z_threshold = 1.0 + k * z_sorted > partial_sums
    k_z = jnp.sum(z_threshold.astype(jnp.int32), axis=-1)  # [B, Q]
    # gather partial_sums at index k_z - 1 (relu'd to >= 0)
    gather_idx = jnp.maximum(k_z - 1, 0)
    tau_sum = jnp.take_along_axis(partial_sums, gather_idx[..., None], axis=-1)[..., 0]
    k_z_f = jnp.clip(k_z.astype(z.dtype), SMALL_NUMBER, BIG_NUMBER)
    tau_z = (tau_sum - 1.0) / k_z_f
    tau_z = tau_z[..., None]
    weights = jax.nn.relu(z - tau_z)
    if EPSILON > 0.0:
        weights = mask * jnp.clip(weights, EPSILON, 1.0)
        clipped_norm = jnp.clip(jnp.sum(jnp.abs(weights), axis=-1, keepdims=True), SMALL_NUMBER, BIG_NUMBER)
        weights = weights / clipped_norm
    return weights

if __name__ == "__main__":
    import jax
    _d = setup_inputs()
    print(jax.jit(kernel)(*tuple(_d.values())))

</pallas_src>

<mosaic_0001>
#map = affine_map<(d0, d1) -> (0, 0)>
module attributes {stable_mosaic.version = 14 : i64} {
  func.func @ker(%arg0: i32, %arg1: i32, %arg2: memref<2048x8192xf32, #tpu.memory_space<hbm>>, %arg3: memref<2048x8192xf32, #tpu.memory_space<hbm>>, %arg4: memref<8192xf32, #tpu.memory_space<vmem>>, %arg5: memref<8192xf32, #tpu.memory_space<vmem>>, %arg6: memref<8192xf32, #tpu.memory_space<vmem>>, %arg7: memref<8192xf32, #tpu.memory_space<vmem>>, %arg8: memref<8208xi32, #tpu.memory_space<vmem>>, %arg9: memref<!tpu.dma_semaphore, #tpu.memory_space<semaphore_mem>>, %arg10: memref<!tpu.dma_semaphore, #tpu.memory_space<semaphore_mem>>, %arg11: memref<!tpu.dma_semaphore, #tpu.memory_space<semaphore_mem>>, %arg12: memref<!tpu.dma_semaphore, #tpu.memory_space<semaphore_mem>>) attributes {dimension_semantics = [#tpu.dimension_semantics<core_parallel>, #tpu.dimension_semantics<subcore_parallel>], iteration_bounds = array<i64: 2, 16>, scalar_prefetch = 0 : i64, scratch_operands = 9 : i64, tpu.core_type = #tpu.core_type<sc_vector_subcore>, window_params = [{transform_indices = #map}, {transform_indices = #map}]} {
    %mul3A = arith.constant 2 : i32
    %mul3A_0 = arith.muli %arg1, %mul3A : i32
    %add3A = arith.addi %mul3A_0, %arg0 : i32
    %mul3A_1 = arith.constant 64 : i32
    %mul3A_2 = arith.muli %add3A, %mul3A_1 : i32
    %broadcast_in_dim3A = arith.constant 0.000000e+00 : f32
    %broadcast_in_dim3A_3 = vector.broadcast %broadcast_in_dim3A : f32 to vector<16xf32>
    %broadcast_in_dim3A_4 = arith.constant 0 : i32
    %broadcast_in_dim3A_5 = vector.broadcast %broadcast_in_dim3A_4 : i32 to vector<16xi32>
    %iota3A = tpu.iota {dimensions = array<i32: 0>} : vector<16xi32>
    %broadcast_in_dim3A_6 = arith.constant -3.400000e+38 : f32
    %broadcast_in_dim3A_7 = vector.broadcast %broadcast_in_dim3A_6 : f32 to vector<16xf32>
    %dma_start3A = arith.constant 0 : i32
    %dma_start3A_8 = tpu.memref_slice %arg2[%mul3A_2, %dma_start3A] : memref<2048x8192xf32, #tpu.memory_space<hbm>> -> memref<1x8192xf32, #tpu.memory_space<hbm>>
    %dma_start3A_9 = tpu.memref_squeeze %dma_start3A_8 : memref<1x8192xf32, #tpu.memory_space<hbm>> -> memref<8192xf32, #tpu.memory_space<hbm>>
    %dma_start3A_10 = arith.constant 0 : i32
    %dma_start3A_11 = tpu.memref_slice %arg2[%mul3A_2, %dma_start3A_10] : memref<2048x8192xf32, #tpu.memory_space<hbm>> -> memref<1x8192xf32, #tpu.memory_space<hbm>>
    %dma_start3A_12 = tpu.memref_squeeze %dma_start3A_11 : memref<1x8192xf32, #tpu.memory_space<hbm>> -> memref<8192xf32, #tpu.memory_space<hbm>>
    tpu.enqueue_dma source(%dma_start3A_12 : memref<8192xf32, #tpu.memory_space<hbm>>) target(%arg4 : memref<8192xf32, #tpu.memory_space<vmem>>) target_semaphore(%arg9 : memref<!tpu.dma_semaphore, #tpu.memory_space<semaphore_mem>>)
    %scan3A = arith.constant 0 : i32
    %scan3A_13 = arith.constant 0 : i32
    %scan3A_14 = arith.constant 32 : i32
    %scan3A_15 = arith.addi %scan3A_13, %scan3A_14 : i32
    %scan3A_16 = arith.constant 1 : i32
    scf.for %scan3A_36 = %scan3A_13 to %scan3A_15 step %scan3A_16  : i32 {
      %mul3A_37 = arith.constant 2 : i32
      %mul3A_38 = arith.muli %mul3A_37, %scan3A_36 : i32
      %add3A_39 = arith.addi %mul3A_2, %mul3A_38 : i32
      %add3A_40 = arith.constant 1 : i32
      %add3A_41 = arith.addi %add3A_39, %add3A_40 : i32
      %dma_wait3A_42 = arith.constant 0 : i32
      %dma_wait3A_43 = tpu.memref_slice %arg2[%add3A_39, %dma_wait3A_42] : memref<2048x8192xf32, #tpu.memory_space<hbm>> -> memref<1x8192xf32, #tpu.memory_space<hbm>>
      %dma_wait3A_44 = tpu.memref_squeeze %dma_wait3A_43 : memref<1x8192xf32, #tpu.memory_space<hbm>> -> memref<8192xf32, #tpu.memory_space<hbm>>
      %dma_wait3A_45 = arith.constant 0 : i32
      %dma_wait3A_46 = tpu.memref_slice %arg2[%add3A_39, %dma_wait3A_45] : memref<2048x8192xf32, #tpu.memory_space<hbm>> -> memref<1x8192xf32, #tpu.memory_space<hbm>>
      %dma_wait3A_47 = tpu.memref_squeeze %dma_wait3A_46 : memref<1x8192xf32, #tpu.memory_space<hbm>> -> memref<8192xf32, #tpu.memory_space<hbm>>
      tpu.wait_dma2 semaphore(%arg9 : memref<!tpu.dma_semaphore, #tpu.memory_space<semaphore_mem>>) src(%dma_wait3A_47 : memref<8192xf32, #tpu.memory_space<hbm>>) dst(%arg4 : memref<8192xf32, #tpu.memory_space<vmem>>)
      %dma_start3A_48 = arith.constant 0 : i32
      %dma_start3A_49 = tpu.memref_slice %arg2[%add3A_41, %dma_start3A_48] : memref<2048x8192xf32, #tpu.memory_space<hbm>> -> memref<1x8192xf32, #tpu.memory_space<hbm>>
      %dma_start3A_50 = tpu.memref_squeeze %dma_start3A_49 : memref<1x8192xf32, #tpu.memory_space<hbm>> -> memref<8192xf32, #tpu.memory_space<hbm>>
      %dma_start3A_51 = arith.constant 0 : i32
      %dma_start3A_52 = tpu.memref_slice %arg2[%add3A_41, %dma_start3A_51] : memref<2048x8192xf32, #tpu.memory_space<hbm>> -> memref<1x8192xf32, #tpu.memory_space<hbm>>
      %dma_start3A_53 = tpu.memref_squeeze %dma_start3A_52 : memref<1x8192xf32, #tpu.memory_space<hbm>> -> memref<8192xf32, #tpu.memory_space<hbm>>
      tpu.enqueue_dma source(%dma_start3A_53 : memref<8192xf32, #tpu.memory_space<hbm>>) target(%arg5 : memref<8192xf32, #tpu.memory_space<vmem>>) target_semaphore(%arg10 : memref<!tpu.dma_semaphore, #tpu.memory_space<semaphore_mem>>)
      %gt3A = arith.constant 0 : i32
      %gt3A_54 = arith.cmpi sgt, %scan3A_36, %gt3A : i32
      %convert_element_type3A = arith.extui %gt3A_54 : i1 to i32
      %cond3A = arith.constant 0 : i32
      %cond3A_55 = arith.cmpi ne, %convert_element_type3A, %cond3A : i32
      scf.if %cond3A_55 {
        %sub3A_176 = arith.constant 2 : i32
        %sub3A_177 = arith.subi %add3A_39, %sub3A_176 : i32
        %dma_wait3A_178 = arith.constant 0 : i32
        %dma_wait3A_179 = tpu.memref_slice %arg3[%sub3A_177, %dma_wait3A_178] : memref<2048x8192xf32, #tpu.memory_space<hbm>> -> memref<1x8192xf32, #tpu.memory_space<hbm>>
        %dma_wait3A_180 = tpu.memref_squeeze %dma_wait3A_179 : memref<1x8192xf32, #tpu.memory_space<hbm>> -> memref<8192xf32, #tpu.memory_space<hbm>>
        %dma_wait3A_181 = arith.constant 0 : i32
        %dma_wait3A_182 = tpu.memref_slice %arg3[%sub3A_177, %dma_wait3A_181] : memref<2048x8192xf32, #tpu.memory_space<hbm>> -> memref<1x8192xf32, #tpu.memory_space<hbm>>
        %dma_wait3A_183 = tpu.memref_squeeze %dma_wait3A_182 : memref<1x8192xf32, #tpu.memory_space<hbm>> -> memref<8192xf32, #tpu.memory_space<hbm>>
        tpu.wait_dma2 semaphore(%arg11 : memref<!tpu.dma_semaphore, #tpu.memory_space<semaphore_mem>>) src(%arg6 : memref<8192xf32, #tpu.memory_space<vmem>>) dst(%dma_wait3A_183 : memref<8192xf32, #tpu.memory_space<hbm>>)
      } else {
      }
      %scan3A_56 = arith.constant 0 : i32
      %scan3A_57 = arith.constant 64 : i32
      %scan3A_58 = arith.addi %scan3A_56, %scan3A_57 : i32
      %scan3A_59 = arith.constant 1 : i32
      %scan3A_60:8 = scf.for %scan3A_176 = %scan3A_56 to %scan3A_58 step %scan3A_59 iter_args(%scan3A_177 = %broadcast_in_dim3A_7, %scan3A_178 = %broadcast_in_dim3A_7, %scan3A_179 = %broadcast_in_dim3A_7, %scan3A_180 = %broadcast_in_dim3A_7, %scan3A_181 = %broadcast_in_dim3A_7, %scan3A_182 = %broadcast_in_dim3A_7, %scan3A_183 = %broadcast_in_dim3A_7, %scan3A_184 = %broadcast_in_dim3A_7) -> (vector<16xf32>, vector<16xf32>, vector<16xf32>, vector<16xf32>, vector<16xf32>, vector<16xf32>, vector<16xf32>, vector<16xf32>)  : i32 {
        %mul3A_185 = arith.constant 8 : i32
        %mul3A_186 = arith.muli %scan3A_176, %mul3A_185 : i32
        %add3A_187 = arith.constant 0 : i32
        %add3A_188 = arith.addi %mul3A_186, %add3A_187 : i32
        %mul3A_189 = arith.constant 16 : i32
        %mul3A_190 = arith.muli %add3A_188, %mul3A_189 : i32
        %swap3A = arith.index_cast %mul3A_190 : i32 to index
        %swap3A_191 = tpu.vector_load %arg6[%swap3A] {strides = array<i32>} : memref<8192xf32, #tpu.memory_space<vmem>>, vector<16xf32>,
        tpu.vector_store %arg6[%swap3A], %broadcast_in_dim3A_3 {strides = array<i32>} : memref<8192xf32, #tpu.memory_space<vmem>>, vector<16xf32>,
        %get3A = arith.index_cast %mul3A_190 : i32 to index
        %get3A_192 = tpu.vector_load %arg4[%get3A] {strides = array<i32>} : memref<8192xf32, #tpu.memory_space<vmem>>, vector<16xf32>,
        %max3A_193 = arith.maximumf %scan3A_177, %get3A_192 : vector<16xf32>
        %mul3A_194 = arith.constant 8 : i32
        %mul3A_195 = arith.muli %scan3A_176, %mul3A_194 : i32
        %add3A_196 = arith.constant 1 : i32
        %add3A_197 = arith.addi %mul3A_195, %add3A_196 : i32
        %mul3A_198 = arith.constant 16 : i32
        %mul3A_199 = arith.muli %add3A_197, %mul3A_198 : i32
        %swap3A_200 = arith.index_cast %mul3A_199 : i32 to index
        %swap3A_201 = tpu.vector_load %arg6[%swap3A_200] {strides = array<i32>} : memref<8192xf32, #tpu.memory_space<vmem>>, vector<16xf32>,
        tpu.vector_store %arg6[%swap3A_200], %broadcast_in_dim3A_3 {strides = array<i32>} : memref<8192xf32, #tpu.memory_space<vmem>>, vector<16xf32>,
        %get3A_202 = arith.index_cast %mul3A_199 : i32 to index
        %get3A_203 = tpu.vector_load %arg4[%get3A_202] {strides = array<i32>} : memref<8192xf32, #tpu.memory_space<vmem>>, vector<16xf32>,
        %max3A_204 = arith.maximumf %scan3A_178, %get3A_203 : vector<16xf32>
        %mul3A_205 = arith.constant 8 : i32
        %mul3A_206 = arith.muli %scan3A_176, %mul3A_205 : i32
        %add3A_207 = arith.constant 2 : i32
        %add3A_208 = arith.addi %mul3A_206, %add3A_207 : i32
        %mul3A_209 = arith.constant 16 : i32
        %mul3A_210 = arith.muli %add3A_208, %mul3A_209 : i32
        %swap3A_211 = arith.index_cast %mul3A_210 : i32 to index
        %swap3A_212 = tpu.vector_load %arg6[%swap3A_211] {strides = array<i32>} : memref<8192xf32, #tpu.memory_space<vmem>>, vector<16xf32>,
        tpu.vector_store %arg6[%swap3A_211], %broadcast_in_dim3A_3 {strides = array<i32>} : memref<8192xf32, #tpu.memory_space<vmem>>, vector<16xf32>,
        %get3A_213 = arith.index_cast %mul3A_210 : i32 to index
        %get3A_214 = tpu.vector_load %arg4[%get3A_213] {strides = array<i32>} : memref<8192xf32, #tpu.memory_space<vmem>>, vector<16xf32>,
        %max3A_215 = arith.maximumf %scan3A_179, %get3A_214 : vector<16xf32>
        %mul3A_216 = arith.constant 8 : i32
        %mul3A_217 = arith.muli %scan3A_176, %mul3A_216 : i32
        %add3A_218 = arith.constant 3 : i32
        %add3A_219 = arith.addi %mul3A_217, %add3A_218 : i32
        %mul3A_220 = arith.constant 16 : i32
        %mul3A_221 = arith.muli %add3A_219, %mul3A_220 : i32
        %swap3A_222 = arith.index_cast %mul3A_221 : i32 to index
        %swap3A_223 = tpu.vector_load %arg6[%swap3A_222] {strides = array<i32>} : memref<8192xf32, #tpu.memory_space<vmem>>, vector<16xf32>,
        tpu.vector_store %arg6[%swap3A_222], %broadcast_in_dim3A_3 {strides = array<i32>} : memref<8192xf32, #tpu.memory_space<vmem>>, vector<16xf32>,
        %get3A_224 = arith.index_cast %mul3A_221 : i32 to index
        %get3A_225 = tpu.vector_load %arg4[%get3A_224] {strides = array<i32>} : memref<8192xf32, #tpu.memory_space<vmem>>, vector<16xf32>,
        %max3A_226 = arith.maximumf %scan3A_180, %get3A_225 : vector<16xf32>
        %mul3A_227 = arith.constant 8 : i32
        %mul3A_228 = arith.muli %scan3A_176, %mul3A_227 : i32
        %add3A_229 = arith.constant 4 : i32
        %add3A_230 = arith.addi %mul3A_228, %add3A_229 : i32
        %mul3A_231 = arith.constant 16 : i32
        %mul3A_232 = arith.muli %add3A_230, %mul3A_231 : i32
        %swap3A_233 = arith.index_cast %mul3A_232 : i32 to index
        %swap3A_234 = tpu.vector_load %arg6[%swap3A_233] {strides = array<i32>} : memref<8192xf32, #tpu.memory_space<vmem>>, vector<16xf32>,
        tpu.vector_store %arg6[%swap3A_233], %broadcast_in_dim3A_3 {strides = array<i32>} : memref<8192xf32, #tpu.memory_space<vmem>>, vector<16xf32>,
        %get3A_235 = arith.index_cast %mul3A_232 : i32 to index
        %get3A_236 = tpu.vector_load %arg4[%get3A_235] {strides = array<i32>} : memref<8192xf32, #tpu.memory_space<vmem>>, vector<16xf32>,
        %max3A_237 = arith.maximumf %scan3A_181, %get3A_236 : vector<16xf32>
        %mul3A_238 = arith.constant 8 : i32
        %mul3A_239 = arith.muli %scan3A_176, %mul3A_238 : i32
        %add3A_240 = arith.constant 5 : i32
        %add3A_241 = arith.addi %mul3A_239, %add3A_240 : i32
        %mul3A_242 = arith.constant 16 : i32
        %mul3A_243 = arith.muli %add3A_241, %mul3A_242 : i32
        %swap3A_244 = arith.index_cast %mul3A_243 : i32 to index
        %swap3A_245 = tpu.vector_load %arg6[%swap3A_244] {strides = array<i32>} : memref<8192xf32, #tpu.memory_space<vmem>>, vector<16xf32>,
        tpu.vector_store %arg6[%swap3A_244], %broadcast_in_dim3A_3 {strides = array<i32>} : memref<8192xf32, #tpu.memory_space<vmem>>, vector<16xf32>,
        %get3A_246 = arith.index_cast %mul3A_243 : i32 to index
        %get3A_247 = tpu.vector_load %arg4[%get3A_246] {strides = array<i32>} : memref<8192xf32, #tpu.memory_space<vmem>>, vector<16xf32>,
        %max3A_248 = arith.maximumf %scan3A_182, %get3A_247 : vector<16xf32>
        %mul3A_249 = arith.constant 8 : i32
        %mul3A_250 = arith.muli %scan3A_176, %mul3A_249 : i32
        %add3A_251 = arith.constant 6 : i32
        %add3A_252 = arith.addi %mul3A_250, %add3A_251 : i32
        %mul3A_253 = arith.constant 16 : i32
        %mul3A_254 = arith.muli %add3A_252, %mul3A_253 : i32
        %swap3A_255 = arith.index_cast %mul3A_254 : i32 to index
        %swap3A_256 = tpu.vector_load %arg6[%swap3A_255] {strides = array<i32>} : memref<8192xf32, #tpu.memory_space<vmem>>, vector<16xf32>,
        tpu.vector_store %arg6[%swap3A_255], %broadcast_in_dim3A_3 {strides = array<i32>} : memref<8192xf32, #tpu.memory_space<vmem>>, vector<16xf32>,
        %get3A_257 = arith.index_cast %mul3A_254 : i32 to index
        %get3A_258 = tpu.vector_load %arg4[%get3A_257] {strides = array<i32>} : memref<8192xf32, #tpu.memory_space<vmem>>, vector<16xf32>,
        %max3A_259 = arith.maximumf %scan3A_183, %get3A_258 : vector<16xf32>
        %mul3A_260 = arith.constant 8 : i32
        %mul3A_261 = arith.muli %scan3A_176, %mul3A_260 : i32
        %add3A_262 = arith.constant 7 : i32
        %add3A_263 = arith.addi %mul3A_261, %add3A_262 : i32
        %mul3A_264 = arith.constant 16 : i32
        %mul3A_265 = arith.muli %add3A_263, %mul3A_264 : i32
        %swap3A_266 = arith.index_cast %mul3A_265 : i32 to index
        %swap3A_267 = tpu.vector_load %arg6[%swap3A_266] {strides = array<i32>} : memref<8192xf32, #tpu.memory_space<vmem>>, vector<16xf32>,
        tpu.vector_store %arg6[%swap3A_266], %broadcast_in_dim3A_3 {strides = array<i32>} : memref<8192xf32, #tpu.memory_space<vmem>>, vector<16xf32>,
        %get3A_268 = arith.index_cast %mul3A_265 : i32 to index
        %get3A_269 = tpu.vector_load %arg4[%get3A_268] {strides = array<i32>} : memref<8192xf32, #tpu.memory_space<vmem>>, vector<16xf32>,
        %max3A_270 = arith.maximumf %scan3A_184, %get3A_269 : vector<16xf32>
        scf.yield %max3A_193, %max3A_204, %max3A_215, %max3A_226, %max3A_237, %max3A_248, %max3A_259, %max3A_270 : vector<16xf32>, vector<16xf32>, vector<16xf32>, vector<16xf32>, vector<16xf32>, vector<16xf32>, vector<16xf32>, vector<16xf32>
      }
      %scan3A_61 = arith.constant 64 : i32
      %max3A = arith.maximumf %scan3A_60#0, %scan3A_60#1 : vector<16xf32>
      %max3A_62 = arith.maximumf %max3A, %scan3A_60#2 : vector<16xf32>
      %max3A_63 = arith.maximumf %max3A_62, %scan3A_60#3 : vector<16xf32>
      %max3A_64 = arith.maximumf %max3A_63, %scan3A_60#4 : vector<16xf32>
      %max3A_65 = arith.maximumf %max3A_64, %scan3A_60#5 : vector<16xf32>
      %max3A_66 = arith.maximumf %max3A_65, %scan3A_60#6 : vector<16xf32>
      %max3A_67 = arith.maximumf %max3A_66, %scan3A_60#7 : vector<16xf32>
      %reduce_max3A = arith.constant true
      %reduce_max3A_68 = vector.broadcast %reduce_max3A : i1 to vector<16xi1>
      %reduce_max3A_69 = tpu.scan <max>, %max3A_67 masked %reduce_max3A_68 : vector<16xf32>, vector<16xi1> -> vector<16xf32>
      %reduce_max3A_70 = vector.extract %reduce_max3A_69[15] : f32 from vector<16xf32>
      %broadcast_in_dim3A_71 = vector.broadcast %reduce_max3A_70 : f32 to vector<16xf32>
      %sub3A_72 = arith.constant 1.000000e+00 : f32
      %sub3A_73 = vector.broadcast %sub3A_72 : f32 to vector<16xf32>
      %sub3A_74 = arith.subf %broadcast_in_dim3A_71, %sub3A_73 : vector<16xf32>
      %scan3A_75 = arith.constant 0 : i32
      %scan3A_76 = arith.constant 64 : i32
      %scan3A_77 = arith.addi %scan3A_75, %scan3A_76 : i32
      %scan3A_78 = arith.constant 1 : i32
      %scan3A_79:2 = scf.for %scan3A_176 = %scan3A_75 to %scan3A_77 step %scan3A_78 iter_args(%scan3A_177 = %broadcast_in_dim3A_5, %scan3A_178 = %iota3A) -> (vector<16xi32>, vector<16xi32>)  : i32 {
        %mul3A_179 = arith.constant 8 : i32
        %mul3A_180 = arith.muli %scan3A_176, %mul3A_179 : i32
        %add3A_181 = arith.constant 0 : i32
        %add3A_182 = arith.addi %mul3A_180, %add3A_181 : i32
        %mul3A_183 = arith.constant 16 : i32
        %mul3A_184 = arith.muli %add3A_182, %mul3A_183 : i32
        %get3A = arith.index_cast %mul3A_184 : i32 to index
        %get3A_185 = tpu.vector_load %arg4[%get3A] {strides = array<i32>} : memref<8192xf32, #tpu.memory_space<vmem>>, vector<16xf32>,
        %gt3A_186 = arith.cmpf ogt, %get3A_185, %sub3A_74 : vector<16xf32>
        %mul3A_187 = arith.constant 8 : i32
        %mul3A_188 = arith.muli %scan3A_176, %mul3A_187 : i32
        %add3A_189 = arith.constant 1 : i32
        %add3A_190 = arith.addi %mul3A_188, %add3A_189 : i32
        %mul3A_191 = arith.constant 16 : i32
        %mul3A_192 = arith.muli %add3A_190, %mul3A_191 : i32
        %get3A_193 = arith.index_cast %mul3A_192 : i32 to index
        %get3A_194 = tpu.vector_load %arg4[%get3A_193] {strides = array<i32>} : memref<8192xf32, #tpu.memory_space<vmem>>, vector<16xf32>,
        %gt3A_195 = arith.cmpf ogt, %get3A_194, %sub3A_74 : vector<16xf32>
        %or3A = arith.ori %gt3A_186, %gt3A_195 : vector<16xi1>
        %mul3A_196 = arith.constant 8 : i32
        %mul3A_197 = arith.muli %scan3A_176, %mul3A_196 : i32
        %add3A_198 = arith.constant 2 : i32
        %add3A_199 = arith.addi %mul3A_197, %add3A_198 : i32
        %mul3A_200 = arith.constant 16 : i32
        %mul3A_201 = arith.muli %add3A_199, %mul3A_200 : i32
        %get3A_202 = arith.index_cast %mul3A_201 : i32 to index
        %get3A_203 = tpu.vector_load %arg4[%get3A_202] {strides = array<i32>} : memref<8192xf32, #tpu.memory_space<vmem>>, vector<16xf32>,
        %gt3A_204 = arith.cmpf ogt, %get3A_203, %sub3A_74 : vector<16xf32>
        %or3A_205 = arith.ori %or3A, %gt3A_204 : vector<16xi1>
        %mul3A_206 = arith.constant 8 : i32
        %mul3A_207 = arith.muli %scan3A_176, %mul3A_206 : i32
        %add3A_208 = arith.constant 3 : i32
        %add3A_209 = arith.addi %mul3A_207, %add3A_208 : i32
        %mul3A_210 = arith.constant 16 : i32
        %mul3A_211 = arith.muli %add3A_209, %mul3A_210 : i32
        %get3A_212 = arith.index_cast %mul3A_211 : i32 to index
        %get3A_213 = tpu.vector_load %arg4[%get3A_212] {strides = array<i32>} : memref<8192xf32, #tpu.memory_space<vmem>>, vector<16xf32>,
        %gt3A_214 = arith.cmpf ogt, %get3A_213, %sub3A_74 : vector<16xf32>
        %or3A_215 = arith.ori %or3A_205, %gt3A_214 : vector<16xi1>
        %mul3A_216 = arith.constant 8 : i32
        %mul3A_217 = arith.muli %scan3A_176, %mul3A_216 : i32
        %add3A_218 = arith.constant 4 : i32
        %add3A_219 = arith.addi %mul3A_217, %add3A_218 : i32
        %mul3A_220 = arith.constant 16 : i32
        %mul3A_221 = arith.muli %add3A_219, %mul3A_220 : i32
        %get3A_222 = arith.index_cast %mul3A_221 : i32 to index
        %get3A_223 = tpu.vector_load %arg4[%get3A_222] {strides = array<i32>} : memref<8192xf32, #tpu.memory_space<vmem>>, vector<16xf32>,
        %gt3A_224 = arith.cmpf ogt, %get3A_223, %sub3A_74 : vector<16xf32>
        %or3A_225 = arith.ori %or3A_215, %gt3A_224 : vector<16xi1>
        %mul3A_226 = arith.constant 8 : i32
        %mul3A_227 = arith.muli %scan3A_176, %mul3A_226 : i32
        %add3A_228 = arith.constant 5 : i32
        %add3A_229 = arith.addi %mul3A_227, %add3A_228 : i32
        %mul3A_230 = arith.constant 16 : i32
        %mul3A_231 = arith.muli %add3A_229, %mul3A_230 : i32
        %get3A_232 = arith.index_cast %mul3A_231 : i32 to index
        %get3A_233 = tpu.vector_load %arg4[%get3A_232] {strides = array<i32>} : memref<8192xf32, #tpu.memory_space<vmem>>, vector<16xf32>,
        %gt3A_234 = arith.cmpf ogt, %get3A_233, %sub3A_74 : vector<16xf32>
        %or3A_235 = arith.ori %or3A_225, %gt3A_234 : vector<16xi1>
        %mul3A_236 = arith.constant 8 : i32
        %mul3A_237 = arith.muli %scan3A_176, %mul3A_236 : i32
        %add3A_238 = arith.constant 6 : i32
        %add3A_239 = arith.addi %mul3A_237, %add3A_238 : i32
        %mul3A_240 = arith.constant 16 : i32
        %mul3A_241 = arith.muli %add3A_239, %mul3A_240 : i32
        %get3A_242 = arith.index_cast %mul3A_241 : i32 to index
        %get3A_243 = tpu.vector_load %arg4[%get3A_242] {strides = array<i32>} : memref<8192xf32, #tpu.memory_space<vmem>>, vector<16xf32>,
        %gt3A_244 = arith.cmpf ogt, %get3A_243, %sub3A_74 : vector<16xf32>
        %or3A_245 = arith.ori %or3A_235, %gt3A_244 : vector<16xi1>
        %mul3A_246 = arith.constant 8 : i32
        %mul3A_247 = arith.muli %scan3A_176, %mul3A_246 : i32
        %add3A_248 = arith.constant 7 : i32
        %add3A_249 = arith.addi %mul3A_247, %add3A_248 : i32
        %mul3A_250 = arith.constant 16 : i32
        %mul3A_251 = arith.muli %add3A_249, %mul3A_250 : i32
        %get3A_252 = arith.index_cast %mul3A_251 : i32 to index
        %get3A_253 = tpu.vector_load %arg4[%get3A_252] {strides = array<i32>} : memref<8192xf32, #tpu.memory_space<vmem>>, vector<16xf32>,
        %gt3A_254 = arith.cmpf ogt, %get3A_253, %sub3A_74 : vector<16xf32>
        %or3A_255 = arith.ori %or3A_245, %gt3A_254 : vector<16xi1>
        %convert_element_type3A_256 = arith.extui %gt3A_186 : vector<16xi1> to vector<16xi32>
        %add3A_257 = arith.addi %scan3A_177, %convert_element_type3A_256 : vector<16xi32>
        %convert_element_type3A_258 = arith.extui %gt3A_195 : vector<16xi1> to vector<16xi32>
        %add3A_259 = arith.addi %add3A_257, %convert_element_type3A_258 : vector<16xi32>
        %convert_element_type3A_260 = arith.extui %gt3A_204 : vector<16xi1> to vector<16xi32>
        %add3A_261 = arith.addi %add3A_259, %convert_element_type3A_260 : vector<16xi32>
        %convert_element_type3A_262 = arith.extui %gt3A_214 : vector<16xi1> to vector<16xi32>
        %add3A_263 = arith.addi %add3A_261, %convert_element_type3A_262 : vector<16xi32>
        %convert_element_type3A_264 = arith.extui %gt3A_224 : vector<16xi1> to vector<16xi32>
        %add3A_265 = arith.addi %add3A_263, %convert_element_type3A_264 : vector<16xi32>
        %convert_element_type3A_266 = arith.extui %gt3A_234 : vector<16xi1> to vector<16xi32>
        %add3A_267 = arith.addi %add3A_265, %convert_element_type3A_266 : vector<16xi32>
        %convert_element_type3A_268 = arith.extui %gt3A_244 : vector<16xi1> to vector<16xi32>
        %add3A_269 = arith.addi %add3A_267, %convert_element_type3A_268 : vector<16xi32>
        %convert_element_type3A_270 = arith.extui %gt3A_254 : vector<16xi1> to vector<16xi32>
        %add3A_271 = arith.addi %add3A_269, %convert_element_type3A_270 : vector<16xi32>
        %all_reduce_population_count3A = tpu.all_reduce %or3A_255 {dim = 0 : i64, kind = #tpu.reduction_kind<sum>} : vector<16xi1> -> vector<16xi32>
        %slice3A = vector.extract_strided_slice %all_reduce_population_count3A {offsets = [0], sizes = [1], strides = [1]} : vector<16xi32> to vector<1xi32>
        %squeeze3A = vector.extract %slice3A[0] : i32 from vector<1xi32>
        %gt3A_272 = arith.constant 0 : i32
        %gt3A_273 = arith.cmpi sgt, %squeeze3A, %gt3A_272 : i32
        %convert_element_type3A_274 = arith.extui %gt3A_273 : i1 to i32
        %cond3A_275 = arith.constant 0 : i32
        %cond3A_276 = arith.cmpi ne, %convert_element_type3A_274, %cond3A_275 : i32
        scf.if %cond3A_276 {
          %mul3A_280 = arith.constant 16 : i32
          %mul3A_281 = vector.broadcast %mul3A_280 : i32 to vector<16xi32>
          %mul3A_282 = arith.muli %scan3A_177, %mul3A_281 : vector<16xi32>
          %add3A_283 = arith.addi %mul3A_282, %iota3A : vector<16xi32>
          %add3A_284 = arith.constant 0 : i32
          %add3A_285 = vector.broadcast %add3A_284 : i32 to vector<16xi32>
          %add3A_286 = arith.addi %scan3A_178, %add3A_285 : vector<16xi32>
          tpu.vector_store_idx %arg8[%add3A_283], %add3A_286 masked %gt3A_186 : memref<8208xi32, #tpu.memory_space<vmem>>[vector<16xi32>], vector<16xi32>, vector<16xi1>
          %mul3A_287 = arith.constant 16 : i32
          %mul3A_288 = vector.broadcast %mul3A_287 : i32 to vector<16xi32>
          %mul3A_289 = arith.muli %add3A_257, %mul3A_288 : vector<16xi32>
          %add3A_290 = arith.addi %mul3A_289, %iota3A : vector<16xi32>
          %add3A_291 = arith.constant 16 : i32
          %add3A_292 = vector.broadcast %add3A_291 : i32 to vector<16xi32>
          %add3A_293 = arith.addi %scan3A_178, %add3A_292 : vector<16xi32>
          tpu.vector_store_idx %arg8[%add3A_290], %add3A_293 masked %gt3A_195 : memref<8208xi32, #tpu.memory_space<vmem>>[vector<16xi32>], vector<16xi32>, vector<16xi1>
          %mul3A_294 = arith.constant 16 : i32
          %mul3A_295 = vector.broadcast %mul3A_294 : i32 to vector<16xi32>
          %mul3A_296 = arith.muli %add3A_259, %mul3A_295 : vector<16xi32>
          %add3A_297 = arith.addi %mul3A_296, %iota3A : vector<16xi32>
          %add3A_298 = arith.constant 32 : i32
          %add3A_299 = vector.broadcast %add3A_298 : i32 to vector<16xi32>
          %add3A_300 = arith.addi %scan3A_178, %add3A_299 : vector<16xi32>
          tpu.vector_store_idx %arg8[%add3A_297], %add3A_300 masked %gt3A_204 : memref<8208xi32, #tpu.memory_space<vmem>>[vector<16xi32>], vector<16xi32>, vector<16xi1>
          %mul3A_301 = arith.constant 16 : i32
          %mul3A_302 = vector.broadcast %mul3A_301 : i32 to vector<16xi32>
          %mul3A_303 = arith.muli %add3A_261, %mul3A_302 : vector<16xi32>
          %add3A_304 = arith.addi %mul3A_303, %iota3A : vector<16xi32>
          %add3A_305 = arith.constant 48 : i32
          %add3A_306 = vector.broadcast %add3A_305 : i32 to vector<16xi32>
          %add3A_307 = arith.addi %scan3A_178, %add3A_306 : vector<16xi32>
          tpu.vector_store_idx %arg8[%add3A_304], %add3A_307 masked %gt3A_214 : memref<8208xi32, #tpu.memory_space<vmem>>[vector<16xi32>], vector<16xi32>, vector<16xi1>
          %mul3A_308 = arith.constant 16 : i32
          %mul3A_309 = vector.broadcast %mul3A_308 : i32 to vector<16xi32>
          %mul3A_310 = arith.muli %add3A_263, %mul3A_309 : vector<16xi32>
          %add3A_311 = arith.addi %mul3A_310, %iota3A : vector<16xi32>
          %add3A_312 = arith.constant 64 : i32
          %add3A_313 = vector.broadcast %add3A_312 : i32 to vector<16xi32>
          %add3A_314 = arith.addi %scan3A_178, %add3A_313 : vector<16xi32>
          tpu.vector_store_idx %arg8[%add3A_311], %add3A_314 masked %gt3A_224 : memref<8208xi32, #tpu.memory_space<vmem>>[vector<16xi32>], vector<16xi32>, vector<16xi1>
          %mul3A_315 = arith.constant 16 : i32
          %mul3A_316 = vector.broadcast %mul3A_315 : i32 to vector<16xi32>
          %mul3A_317 = arith.muli %add3A_265, %mul3A_316 : vector<16xi32>
          %add3A_318 = arith.addi %mul3A_317, %iota3A : vector<16xi32>
          %add3A_319 = arith.constant 80 : i32
          %add3A_320 = vector.broadcast %add3A_319 : i32 to vector<16xi32>
          %add3A_321 = arith.addi %scan3A_178, %add3A_320 : vector<16xi32>
          tpu.vector_store_idx %arg8[%add3A_318], %add3A_321 masked %gt3A_234 : memref<8208xi32, #tpu.memory_space<vmem>>[vector<16xi32>], vector<16xi32>, vector<16xi1>
          %mul3A_322 = arith.constant 16 : i32
          %mul3A_323 = vector.broadcast %mul3A_322 : i32 to vector<16xi32>
          %mul3A_324 = arith.muli %add3A_267, %mul3A_323 : vector<16xi32>
          %add3A_325 = arith.addi %mul3A_324, %iota3A : vector<16xi32>
          %add3A_326 = arith.constant 96 : i32
          %add3A_327 = vector.broadcast %add3A_326 : i32 to vector<16xi32>
          %add3A_328 = arith.addi %scan3A_178, %add3A_327 : vector<16xi32>
          tpu.vector_store_idx %arg8[%add3A_325], %add3A_328 masked %gt3A_244 : memref<8208xi32, #tpu.memory_space<vmem>>[vector<16xi32>], vector<16xi32>, vector<16xi1>
          %mul3A_329 = arith.constant 16 : i32
          %mul3A_330 = vector.broadcast %mul3A_329 : i32 to vector<16xi32>
          %mul3A_331 = arith.muli %add3A_269, %mul3A_330 : vector<16xi32>
          %add3A_332 = arith.addi %mul3A_331, %iota3A : vector<16xi32>
          %add3A_333 = arith.constant 112 : i32
          %add3A_334 = vector.broadcast %add3A_333 : i32 to vector<16xi32>
          %add3A_335 = arith.addi %scan3A_178, %add3A_334 : vector<16xi32>
          tpu.vector_store_idx %arg8[%add3A_332], %add3A_335 masked %gt3A_254 : memref<8208xi32, #tpu.memory_space<vmem>>[vector<16xi32>], vector<16xi32>, vector<16xi1>
        } else {
        }
        %add3A_277 = arith.constant 128 : i32
        %add3A_278 = vector.broadcast %add3A_277 : i32 to vector<16xi32>
        %add3A_279 = arith.addi %scan3A_178, %add3A_278 : vector<16xi32>
        scf.yield %add3A_271, %add3A_279 : vector<16xi32>, vector<16xi32>
      }
      %scan3A_80 = arith.constant 64 : i32
      %reduce_max3A_81 = arith.constant true
      %reduce_max3A_82 = vector.broadcast %reduce_max3A_81 : i1 to vector<16xi1>
      %reduce_max3A_83 = arith.constant -2147483648 : i32
      %reduce_max3A_84 = vector.broadcast %reduce_max3A_83 : i32 to vector<16xi32>
      %reduce_max3A_85 = arith.xori %scan3A_79#0, %reduce_max3A_84 : vector<16xi32>
      %reduce_max3A_86 = tpu.scan <max>, %reduce_max3A_85 masked %reduce_max3A_82 : vector<16xi32>, vector<16xi1> -> vector<16xi32>
      %reduce_max3A_87 = arith.xori %reduce_max3A_86, %reduce_max3A_84 : vector<16xi32>
      %reduce_max3A_88 = vector.extract %reduce_max3A_87[15] : i32 from vector<16xi32>
      %while3A = arith.constant -1 : i32
      %while3A_89 = arith.constant false
      %while3A_90:3 = scf.while (%while3A_176 = %sub3A_74, %while3A_177 = %while3A, %while3A_178 = %while3A_89) : (vector<16xf32>, i32, i1) -> (vector<16xf32>, i32, i1) {
        %not3A = arith.constant true
        %not3A_179 = arith.xori %while3A_178, %not3A : i1
        scf.condition(%not3A_179) %while3A_176, %while3A_177, %while3A_178 : vector<16xf32>, i32, i1
      } do {
      ^bb0(%while3A_176: vector<16xf32>, %while3A_177: i32, %while3A_178: i1):
        %while3A_179 = arith.constant 0 : i32
        %while3A_180 = arith.subi %reduce_max3A_88, %while3A_179 : i32
        %while3A_181 = arith.addi %while3A_179, %while3A_180 : i32
        %while3A_182 = arith.constant 1 : i32
        %while3A_183 = arith.divsi %while3A_180, %while3A_182 : i32
        %while3A_184 = arith.muli %while3A_183, %while3A_182 : i32
        %while3A_185 = arith.addi %while3A_179, %while3A_184 : i32
        %while3A_186 = arith.constant 1 : i32
        %while3A_187:2 = scf.for %while3A_203 = %while3A_179 to %while3A_185 step %while3A_186 iter_args(%while3A_204 = %broadcast_in_dim3A_3, %while3A_205 = %broadcast_in_dim3A_5) -> (vector<16xf32>, vector<16xi32>)  : i32 {
          %lt3A_206 = vector.broadcast %while3A_203 : i32 to vector<16xi32>
          %lt3A_207 = arith.cmpi slt, %lt3A_206, %scan3A_79#0 : vector<16xi32>
          %mul3A_208 = arith.constant 16 : i32
          %mul3A_209 = arith.muli %while3A_203, %mul3A_208 : i32
          %get3A = arith.index_cast %mul3A_209 : i32 to index
          %get3A_210 = tpu.vector_load %arg8[%get3A] {strides = array<i32>} : memref<8208xi32, #tpu.memory_space<vmem>>, vector<16xi32>,
          %gather3A = tpu.vector_load_idx %arg4[%get3A_210] masked %lt3A_207 : memref<8192xf32, #tpu.memory_space<vmem>>[vector<16xi32>], vector<16xf32>, vector<16xi1>
          %gt3A_211 = arith.cmpf ogt, %gather3A, %while3A_176 : vector<16xf32>
          %and3A = arith.andi %gt3A_211, %lt3A_207 : vector<16xi1>
          %select_n3A = arith.select %and3A, %gather3A, %broadcast_in_dim3A_3 : vector<16xi1>, vector<16xf32>
          %add3A_212 = arith.addf %while3A_204, %select_n3A : vector<16xf32>
          %convert_element_type3A_213 = arith.extui %and3A : vector<16xi1> to vector<16xi32>
          %add3A_214 = arith.addi %while3A_205, %convert_element_type3A_213 : vector<16xi32>
          scf.yield %add3A_212, %add3A_214 : vector<16xf32>, vector<16xi32>
        }
        %while3A_188 = arith.constant 1 : i32
        %while3A_189:2 = scf.for %while3A_203 = %while3A_185 to %while3A_181 step %while3A_188 iter_args(%while3A_204 = %while3A_187#0, %while3A_205 = %while3A_187#1) -> (vector<16xf32>, vector<16xi32>)  : i32 {
          %lt3A_206 = vector.broadcast %while3A_203 : i32 to vector<16xi32>
          %lt3A_207 = arith.cmpi slt, %lt3A_206, %scan3A_79#0 : vector<16xi32>
          %mul3A_208 = arith.constant 16 : i32
          %mul3A_209 = arith.muli %while3A_203, %mul3A_208 : i32
          %get3A = arith.index_cast %mul3A_209 : i32 to index
          %get3A_210 = tpu.vector_load %arg8[%get3A] {strides = array<i32>} : memref<8208xi32, #tpu.memory_space<vmem>>, vector<16xi32>,
          %gather3A = tpu.vector_load_idx %arg4[%get3A_210] masked %lt3A_207 : memref<8192xf32, #tpu.memory_space<vmem>>[vector<16xi32>], vector<16xf32>, vector<16xi1>
          %gt3A_211 = arith.cmpf ogt, %gather3A, %while3A_176 : vector<16xf32>
          %and3A = arith.andi %gt3A_211, %lt3A_207 : vector<16xi1>
          %select_n3A = arith.select %and3A, %gather3A, %broadcast_in_dim3A_3 : vector<16xi1>, vector<16xf32>
          %add3A_212 = arith.addf %while3A_204, %select_n3A : vector<16xf32>
          %convert_element_type3A_213 = arith.extui %and3A : vector<16xi1> to vector<16xi32>
          %add3A_214 = arith.addi %while3A_205, %convert_element_type3A_213 : vector<16xi32>
          scf.yield %add3A_212, %add3A_214 : vector<16xf32>, vector<16xi32>
        }
        %reduce_sum3A = arith.constant true
        %reduce_sum3A_190 = vector.broadcast %reduce_sum3A : i1 to vector<16xi1>
        %reduce_sum3A_191 = tpu.scan <sum>, %while3A_189#1 masked %reduce_sum3A_190 : vector<16xi32>, vector<16xi1> -> vector<16xi32>
        %reduce_sum3A_192 = vector.extract %reduce_sum3A_191[15] : i32 from vector<16xi32>
        %reduce_sum3A_193 = arith.constant true
        %reduce_sum3A_194 = vector.broadcast %reduce_sum3A_193 : i1 to vector<16xi1>
        %reduce_sum3A_195 = tpu.scan <sum>, %while3A_189#0 masked %reduce_sum3A_194 : vector<16xf32>, vector<16xi1> -> vector<16xf32>
        %reduce_sum3A_196 = vector.extract %reduce_sum3A_195[15] : f32 from vector<16xf32>
        %broadcast_in_dim3A_197 = vector.broadcast %reduce_sum3A_196 : f32 to vector<16xf32>
        %sub3A_198 = arith.constant 1.000000e+00 : f32
        %sub3A_199 = vector.broadcast %sub3A_198 : f32 to vector<16xf32>
        %sub3A_200 = arith.subf %broadcast_in_dim3A_197, %sub3A_199 : vector<16xf32>
        %broadcast_in_dim3A_201 = vector.broadcast %reduce_sum3A_192 : i32 to vector<16xi32>
        %convert_element_type3A_202 = arith.sitofp %broadcast_in_dim3A_201 : vector<16xi32> to vector<16xf32>
        %div3A = arith.divf %sub3A_200, %convert_element_type3A_202 : vector<16xf32>
        %eq3A = arith.cmpi eq, %reduce_sum3A_192, %while3A_177 : i32
        scf.yield %div3A, %reduce_sum3A_192, %eq3A : vector<16xf32>, i32, i1
      }
      %while3A_91 = arith.constant 0 : i32
      %while3A_92 = arith.constant 0 : i32
      %while3A_93 = arith.subi %reduce_max3A_88, %while3A_92 : i32
      %while3A_94 = arith.addi %while3A_92, %while3A_93 : i32
      %while3A_95 = arith.constant 1 : i32
      %while3A_96 = arith.divsi %while3A_93, %while3A_95 : i32
      %while3A_97 = arith.muli %while3A_96, %while3A_95 : i32
      %while3A_98 = arith.addi %while3A_92, %while3A_97 : i32
      %while3A_99 = arith.constant 1 : i32
      scf.for %while3A_176 = %while3A_92 to %while3A_98 step %while3A_99  : i32 {
        %lt3A_177 = vector.broadcast %while3A_176 : i32 to vector<16xi32>
        %lt3A_178 = arith.cmpi slt, %lt3A_177, %scan3A_79#0 : vector<16xi32>
        %mul3A_179 = arith.constant 16 : i32
        %mul3A_180 = arith.muli %while3A_176, %mul3A_179 : i32
        %get3A = arith.index_cast %mul3A_180 : i32 to index
        %get3A_181 = tpu.vector_load %arg8[%get3A] {strides = array<i32>} : memref<8208xi32, #tpu.memory_space<vmem>>, vector<16xi32>,
        %gather3A = tpu.vector_load_idx %arg4[%get3A_181] masked %lt3A_178 : memref<8192xf32, #tpu.memory_space<vmem>>[vector<16xi32>], vector<16xf32>, vector<16xi1>
        %gt3A_182 = arith.cmpf ogt, %gather3A, %while3A_90#0 : vector<16xf32>
        %and3A = arith.andi %gt3A_182, %lt3A_178 : vector<16xi1>
        %sub3A_183 = arith.subf %gather3A, %while3A_90#0 : vector<16xf32>
        tpu.vector_store_idx %arg6[%get3A_181], %sub3A_183 masked %and3A : memref<8192xf32, #tpu.memory_space<vmem>>[vector<16xi32>], vector<16xf32>, vector<16xi1>
      }
      %while3A_100 = arith.constant 1 : i32
      scf.for %while3A_176 = %while3A_98 to %while3A_94 step %while3A_100  : i32 {
        %lt3A_177 = vector.broadcast %while3A_176 : i32 to vector<16xi32>
        %lt3A_178 = arith.cmpi slt, %lt3A_177, %scan3A_79#0 : vector<16xi32>
        %mul3A_179 = arith.constant 16 : i32
        %mul3A_180 = arith.muli %while3A_176, %mul3A_179 : i32
        %get3A = arith.index_cast %mul3A_180 : i32 to index
        %get3A_181 = tpu.vector_load %arg8[%get3A] {strides = array<i32>} : memref<8208xi32, #tpu.memory_space<vmem>>, vector<16xi32>,
        %gather3A = tpu.vector_load_idx %arg4[%get3A_181] masked %lt3A_178 : memref<8192xf32, #tpu.memory_space<vmem>>[vector<16xi32>], vector<16xf32>, vector<16xi1>
        %gt3A_182 = arith.cmpf ogt, %gather3A, %while3A_90#0 : vector<16xf32>
        %and3A = arith.andi %gt3A_182, %lt3A_178 : vector<16xi1>
        %sub3A_183 = arith.subf %gather3A, %while3A_90#0 : vector<16xf32>
        tpu.vector_store_idx %arg6[%get3A_181], %sub3A_183 masked %and3A : memref<8192xf32, #tpu.memory_space<vmem>>[vector<16xi32>], vector<16xf32>, vector<16xi1>
      }
      %dma_start3A_101 = arith.constant 0 : i32
      %dma_start3A_102 = tpu.memref_slice %arg3[%add3A_39, %dma_start3A_101] : memref<2048x8192xf32, #tpu.memory_space<hbm>> -> memref<1x8192xf32, #tpu.memory_space<hbm>>
      %dma_start3A_103 = tpu.memref_squeeze %dma_start3A_102 : memref<1x8192xf32, #tpu.memory_space<hbm>> -> memref<8192xf32, #tpu.memory_space<hbm>>
      %dma_start3A_104 = arith.constant 0 : i32
      %dma_start3A_105 = tpu.memref_slice %arg3[%add3A_39, %dma_start3A_104] : memref<2048x8192xf32, #tpu.memory_space<hbm>> -> memref<1x8192xf32, #tpu.memory_space<hbm>>
      %dma_start3A_106 = tpu.memref_squeeze %dma_start3A_105 : memref<1x8192xf32, #tpu.memory_space<hbm>> -> memref<8192xf32, #tpu.memory_space<hbm>>
      tpu.enqueue_dma source(%arg6 : memref<8192xf32, #tpu.memory_space<vmem>>) target(%dma_start3A_106 : memref<8192xf32, #tpu.memory_space<hbm>>) target_semaphore(%arg11 : memref<!tpu.dma_semaphore, #tpu.memory_space<semaphore_mem>>)
      %dma_wait3A_107 = arith.constant 0 : i32
      %dma_wait3A_108 = tpu.memref_slice %arg2[%add3A_41, %dma_wait3A_107] : memref<2048x8192xf32, #tpu.memory_space<hbm>> -> memref<1x8192xf32, #tpu.memory_space<hbm>>
      %dma_wait3A_109 = tpu.memref_squeeze %dma_wait3A_108 : memref<1x8192xf32, #tpu.memory_space<hbm>> -> memref<8192xf32, #tpu.memory_space<hbm>>
      %dma_wait3A_110 = arith.constant 0 : i32
      %dma_wait3A_111 = tpu.memref_slice %arg2[%add3A_41, %dma_wait3A_110] : memref<2048x8192xf32, #tpu.memory_space<hbm>> -> memref<1x8192xf32, #tpu.memory_space<hbm>>
      %dma_wait3A_112 = tpu.memref_squeeze %dma_wait3A_111 : memref<1x8192xf32, #tpu.memory_space<hbm>> -> memref<8192xf32, #tpu.memory_space<hbm>>
      tpu.wait_dma2 semaphore(%arg10 : memref<!tpu.dma_semaphore, #tpu.memory_space<semaphore_mem>>) src(%dma_wait3A_112 : memref<8192xf32, #tpu.memory_space<hbm>>) dst(%arg5 : memref<8192xf32, #tpu.memory_space<vmem>>)
      %lt3A = arith.constant 31 : i32
      %lt3A_113 = arith.cmpi slt, %scan3A_36, %lt3A : i32
      %convert_element_type3A_114 = arith.extui %lt3A_113 : i1 to i32
      %cond3A_115 = arith.constant 0 : i32
      %cond3A_116 = arith.cmpi ne, %convert_element_type3A_114, %cond3A_115 : i32
      scf.if %cond3A_116 {
        %add3A_176 = arith.constant 1 : i32
        %add3A_177 = arith.addi %add3A_41, %add3A_176 : i32
        %dma_start3A_178 = arith.constant 0 : i32
        %dma_start3A_179 = tpu.memref_slice %arg2[%add3A_177, %dma_start3A_178] : memref<2048x8192xf32, #tpu.memory_space<hbm>> -> memref<1x8192xf32, #tpu.memory_space<hbm>>
        %dma_start3A_180 = tpu.memref_squeeze %dma_start3A_179 : memref<1x8192xf32, #tpu.memory_space<hbm>> -> memref<8192xf32, #tpu.memory_space<hbm>>
        %dma_start3A_181 = arith.constant 0 : i32
        %dma_start3A_182 = tpu.memref_slice %arg2[%add3A_177, %dma_start3A_181] : memref<2048x8192xf32, #tpu.memory_space<hbm>> -> memref<1x8192xf32, #tpu.memory_space<hbm>>
        %dma_start3A_183 = tpu.memref_squeeze %dma_start3A_182 : memref<1x8192xf32, #tpu.memory_space<hbm>> -> memref<8192xf32, #tpu.memory_space<hbm>>
        tpu.enqueue_dma source(%dma_start3A_183 : memref<8192xf32, #tpu.memory_space<hbm>>) target(%arg4 : memref<8192xf32, #tpu.memory_space<vmem>>) target_semaphore(%arg9 : memref<!tpu.dma_semaphore, #tpu.memory_space<semaphore_mem>>)
      } else {
      }
      %gt3A_117 = arith.constant 0 : i32
      %gt3A_118 = arith.cmpi sgt, %scan3A_36, %gt3A_117 : i32
      %convert_element_type3A_119 = arith.extui %gt3A_118 : i1 to i32
      %cond3A_120 = arith.constant 0 : i32
      %cond3A_121 = arith.cmpi ne, %convert_element_type3A_119, %cond3A_120 : i32
      scf.if %cond3A_121 {
        %sub3A_176 = arith.constant 2 : i32
        %sub3A_177 = arith.subi %add3A_41, %sub3A_176 : i32
        %dma_wait3A_178 = arith.constant 0 : i32
        %dma_wait3A_179 = tpu.memref_slice %arg3[%sub3A_177, %dma_wait3A_178] : memref<2048x8192xf32, #tpu.memory_space<hbm>> -> memref<1x8192xf32, #tpu.memory_space<hbm>>
        %dma_wait3A_180 = tpu.memref_squeeze %dma_wait3A_179 : memref<1x8192xf32, #tpu.memory_space<hbm>> -> memref<8192xf32, #tpu.memory_space<hbm>>
        %dma_wait3A_181 = arith.constant 0 : i32
        %dma_wait3A_182 = tpu.memref_slice %arg3[%sub3A_177, %dma_wait3A_181] : memref<2048x8192xf32, #tpu.memory_space<hbm>> -> memref<1x8192xf32, #tpu.memory_space<hbm>>
        %dma_wait3A_183 = tpu.memref_squeeze %dma_wait3A_182 : memref<1x8192xf32, #tpu.memory_space<hbm>> -> memref<8192xf32, #tpu.memory_space<hbm>>
        tpu.wait_dma2 semaphore(%arg12 : memref<!tpu.dma_semaphore, #tpu.memory_space<semaphore_mem>>) src(%arg7 : memref<8192xf32, #tpu.memory_space<vmem>>) dst(%dma_wait3A_183 : memref<8192xf32, #tpu.memory_space<hbm>>)
      } else {
      }
      %scan3A_122 = arith.constant 0 : i32
      %scan3A_123 = arith.constant 64 : i32
      %scan3A_124 = arith.addi %scan3A_122, %scan3A_123 : i32
      %scan3A_125 = arith.constant 1 : i32
      %scan3A_126:8 = scf.for %scan3A_176 = %scan3A_122 to %scan3A_124 step %scan3A_125 iter_args(%scan3A_177 = %broadcast_in_dim3A_7, %scan3A_178 = %broadcast_in_dim3A_7, %scan3A_179 = %broadcast_in_dim3A_7, %scan3A_180 = %broadcast_in_dim3A_7, %scan3A_181 = %broadcast_in_dim3A_7, %scan3A_182 = %broadcast_in_dim3A_7, %scan3A_183 = %broadcast_in_dim3A_7, %scan3A_184 = %broadcast_in_dim3A_7) -> (vector<16xf32>, vector<16xf32>, vector<16xf32>, vector<16xf32>, vector<16xf32>, vector<16xf32>, vector<16xf32>, vector<16xf32>)  : i32 {
        %mul3A_185 = arith.constant 8 : i32
        %mul3A_186 = arith.muli %scan3A_176, %mul3A_185 : i32
        %add3A_187 = arith.constant 0 : i32
        %add3A_188 = arith.addi %mul3A_186, %add3A_187 : i32
        %mul3A_189 = arith.constant 16 : i32
        %mul3A_190 = arith.muli %add3A_188, %mul3A_189 : i32
        %swap3A = arith.index_cast %mul3A_190 : i32 to index
        %swap3A_191 = tpu.vector_load %arg7[%swap3A] {strides = array<i32>} : memref<8192xf32, #tpu.memory_space<vmem>>, vector<16xf32>,
        tpu.vector_store %arg7[%swap3A], %broadcast_in_dim3A_3 {strides = array<i32>} : memref<8192xf32, #tpu.memory_space<vmem>>, vector<16xf32>,
        %get3A = arith.index_cast %mul3A_190 : i32 to index
        %get3A_192 = tpu.vector_load %arg5[%get3A] {strides = array<i32>} : memref<8192xf32, #tpu.memory_space<vmem>>, vector<16xf32>,
        %max3A_193 = arith.maximumf %scan3A_177, %get3A_192 : vector<16xf32>
        %mul3A_194 = arith.constant 8 : i32
        %mul3A_195 = arith.muli %scan3A_176, %mul3A_194 : i32
        %add3A_196 = arith.constant 1 : i32
        %add3A_197 = arith.addi %mul3A_195, %add3A_196 : i32
        %mul3A_198 = arith.constant 16 : i32
        %mul3A_199 = arith.muli %add3A_197, %mul3A_198 : i32
        %swap3A_200 = arith.index_cast %mul3A_199 : i32 to index
        %swap3A_201 = tpu.vector_load %arg7[%swap3A_200] {strides = array<i32>} : memref<8192xf32, #tpu.memory_space<vmem>>, vector<16xf32>,
        tpu.vector_store %arg7[%swap3A_200], %broadcast_in_dim3A_3 {strides = array<i32>} : memref<8192xf32, #tpu.memory_space<vmem>>, vector<16xf32>,
        %get3A_202 = arith.index_cast %mul3A_199 : i32 to index
        %get3A_203 = tpu.vector_load %arg5[%get3A_202] {strides = array<i32>} : memref<8192xf32, #tpu.memory_space<vmem>>, vector<16xf32>,
        %max3A_204 = arith.maximumf %scan3A_178, %get3A_203 : vector<16xf32>
        %mul3A_205 = arith.constant 8 : i32
        %mul3A_206 = arith.muli %scan3A_176, %mul3A_205 : i32
        %add3A_207 = arith.constant 2 : i32
        %add3A_208 = arith.addi %mul3A_206, %add3A_207 : i32
        %mul3A_209 = arith.constant 16 : i32
        %mul3A_210 = arith.muli %add3A_208, %mul3A_209 : i32
        %swap3A_211 = arith.index_cast %mul3A_210 : i32 to index
        %swap3A_212 = tpu.vector_load %arg7[%swap3A_211] {strides = array<i32>} : memref<8192xf32, #tpu.memory_space<vmem>>, vector<16xf32>,
        tpu.vector_store %arg7[%swap3A_211], %broadcast_in_dim3A_3 {strides = array<i32>} : memref<8192xf32, #tpu.memory_space<vmem>>, vector<16xf32>,
        %get3A_213 = arith.index_cast %mul3A_210 : i32 to index
        %get3A_214 = tpu.vector_load %arg5[%get3A_213] {strides = array<i32>} : memref<8192xf32, #tpu.memory_space<vmem>>, vector<16xf32>,
        %max3A_215 = arith.maximumf %scan3A_179, %get3A_214 : vector<16xf32>
        %mul3A_216 = arith.constant 8 : i32
        %mul3A_217 = arith.muli %scan3A_176, %mul3A_216 : i32
        %add3A_218 = arith.constant 3 : i32
        %add3A_219 = arith.addi %mul3A_217, %add3A_218 : i32
        %mul3A_220 = arith.constant 16 : i32
        %mul3A_221 = arith.muli %add3A_219, %mul3A_220 : i32
        %swap3A_222 = arith.index_cast %mul3A_221 : i32 to index
        %swap3A_223 = tpu.vector_load %arg7[%swap3A_222] {strides = array<i32>} : memref<8192xf32, #tpu.memory_space<vmem>>, vector<16xf32>,
        tpu.vector_store %arg7[%swap3A_222], %broadcast_in_dim3A_3 {strides = array<i32>} : memref<8192xf32, #tpu.memory_space<vmem>>, vector<16xf32>,
        %get3A_224 = arith.index_cast %mul3A_221 : i32 to index
        %get3A_225 = tpu.vector_load %arg5[%get3A_224] {strides = array<i32>} : memref<8192xf32, #tpu.memory_space<vmem>>, vector<16xf32>,
        %max3A_226 = arith.maximumf %scan3A_180, %get3A_225 : vector<16xf32>
        %mul3A_227 = arith.constant 8 : i32
        %mul3A_228 = arith.muli %scan3A_176, %mul3A_227 : i32
        %add3A_229 = arith.constant 4 : i32
        %add3A_230 = arith.addi %mul3A_228, %add3A_229 : i32
        %mul3A_231 = arith.constant 16 : i32
        %mul3A_232 = arith.muli %add3A_230, %mul3A_231 : i32
        %swap3A_233 = arith.index_cast %mul3A_232 : i32 to index
        %swap3A_234 = tpu.vector_load %arg7[%swap3A_233] {strides = array<i32>} : memref<8192xf32, #tpu.memory_space<vmem>>, vector<16xf32>,
        tpu.vector_store %arg7[%swap3A_233], %broadcast_in_dim3A_3 {strides = array<i32>} : memref<8192xf32, #tpu.memory_space<vmem>>, vector<16xf32>,
        %get3A_235 = arith.index_cast %mul3A_232 : i32 to index
        %get3A_236 = tpu.vector_load %arg5[%get3A_235] {strides = array<i32>} : memref<8192xf32, #tpu.memory_space<vmem>>, vector<16xf32>,
        %max3A_237 = arith.maximumf %scan3A_181, %get3A_236 : vector<16xf32>
        %mul3A_238 = arith.constant 8 : i32
        %mul3A_239 = arith.muli %scan3A_176, %mul3A_238 : i32
        %add3A_240 = arith.constant 5 : i32
        %add3A_241 = arith.addi %mul3A_239, %add3A_240 : i32
        %mul3A_242 = arith.constant 16 : i32
        %mul3A_243 = arith.muli %add3A_241, %mul3A_242 : i32
        %swap3A_244 = arith.index_cast %mul3A_243 : i32 to index
        %swap3A_245 = tpu.vector_load %arg7[%swap3A_244] {strides = array<i32>} : memref<8192xf32, #tpu.memory_space<vmem>>, vector<16xf32>,
        tpu.vector_store %arg7[%swap3A_244], %broadcast_in_dim3A_3 {strides = array<i32>} : memref<8192xf32, #tpu.memory_space<vmem>>, vector<16xf32>,
        %get3A_246 = arith.index_cast %mul3A_243 : i32 to index
        %get3A_247 = tpu.vector_load %arg5[%get3A_246] {strides = array<i32>} : memref<8192xf32, #tpu.memory_space<vmem>>, vector<16xf32>,
        %max3A_248 = arith.maximumf %scan3A_182, %get3A_247 : vector<16xf32>
        %mul3A_249 = arith.constant 8 : i32
        %mul3A_250 = arith.muli %scan3A_176, %mul3A_249 : i32
        %add3A_251 = arith.constant 6 : i32
        %add3A_252 = arith.addi %mul3A_250, %add3A_251 : i32
        %mul3A_253 = arith.constant 16 : i32
        %mul3A_254 = arith.muli %add3A_252, %mul3A_253 : i32
        %swap3A_255 = arith.index_cast %mul3A_254 : i32 to index
        %swap3A_256 = tpu.vector_load %arg7[%swap3A_255] {strides = array<i32>} : memref<8192xf32, #tpu.memory_space<vmem>>, vector<16xf32>,
        tpu.vector_store %arg7[%swap3A_255], %broadcast_in_dim3A_3 {strides = array<i32>} : memref<8192xf32, #tpu.memory_space<vmem>>, vector<16xf32>,
        %get3A_257 = arith.index_cast %mul3A_254 : i32 to index
        %get3A_258 = tpu.vector_load %arg5[%get3A_257] {strides = array<i32>} : memref<8192xf32, #tpu.memory_space<vmem>>, vector<16xf32>,
        %max3A_259 = arith.maximumf %scan3A_183, %get3A_258 : vector<16xf32>
        %mul3A_260 = arith.constant 8 : i32
        %mul3A_261 = arith.muli %scan3A_176, %mul3A_260 : i32
        %add3A_262 = arith.constant 7 : i32
        %add3A_263 = arith.addi %mul3A_261, %add3A_262 : i32
        %mul3A_264 = arith.constant 16 : i32
        %mul3A_265 = arith.muli %add3A_263, %mul3A_264 : i32
        %swap3A_266 = arith.index_cast %mul3A_265 : i32 to index
        %swap3A_267 = tpu.vector_load %arg7[%swap3A_266] {strides = array<i32>} : memref<8192xf32, #tpu.memory_space<vmem>>, vector<16xf32>,
        tpu.vector_store %arg7[%swap3A_266], %broadcast_in_dim3A_3 {strides = array<i32>} : memref<8192xf32, #tpu.memory_space<vmem>>, vector<16xf32>,
        %get3A_268 = arith.index_cast %mul3A_265 : i32 to index
        %get3A_269 = tpu.vector_load %arg5[%get3A_268] {strides = array<i32>} : memref<8192xf32, #tpu.memory_space<vmem>>, vector<16xf32>,
        %max3A_270 = arith.maximumf %scan3A_184, %get3A_269 : vector<16xf32>
        scf.yield %max3A_193, %max3A_204, %max3A_215, %max3A_226, %max3A_237, %max3A_248, %max3A_259, %max3A_270 : vector<16xf32>, vector<16xf32>, vector<16xf32>, vector<16xf32>, vector<16xf32>, vector<16xf32>, vector<16xf32>, vector<16xf32>
      }
      %scan3A_127 = arith.constant 64 : i32
      %max3A_128 = arith.maximumf %scan3A_126#0, %scan3A_126#1 : vector<16xf32>
      %max3A_129 = arith.maximumf %max3A_128, %scan3A_126#2 : vector<16xf32>
      %max3A_130 = arith.maximumf %max3A_129, %scan3A_126#3 : vector<16xf32>
      %max3A_131 = arith.maximumf %max3A_130, %scan3A_126#4 : vector<16xf32>
      %max3A_132 = arith.maximumf %max3A_131, %scan3A_126#5 : vector<16xf32>
      %max3A_133 = arith.maximumf %max3A_132, %scan3A_126#6 : vector<16xf32>
      %max3A_134 = arith.maximumf %max3A_133, %scan3A_126#7 : vector<16xf32>
      %reduce_max3A_135 = arith.constant true
      %reduce_max3A_136 = vector.broadcast %reduce_max3A_135 : i1 to vector<16xi1>
      %reduce_max3A_137 = tpu.scan <max>, %max3A_134 masked %reduce_max3A_136 : vector<16xf32>, vector<16xi1> -> vector<16xf32>
      %reduce_max3A_138 = vector.extract %reduce_max3A_137[15] : f32 from vector<16xf32>
      %broadcast_in_dim3A_139 = vector.broadcast %reduce_max3A_138 : f32 to vector<16xf32>
      %sub3A_140 = arith.constant 1.000000e+00 : f32
      %sub3A_141 = vector.broadcast %sub3A_140 : f32 to vector<16xf32>
      %sub3A_142 = arith.subf %broadcast_in_dim3A_139, %sub3A_141 : vector<16xf32>
      %scan3A_143 = arith.constant 0 : i32
      %scan3A_144 = arith.constant 64 : i32
      %scan3A_145 = arith.addi %scan3A_143, %scan3A_144 : i32
      %scan3A_146 = arith.constant 1 : i32
      %scan3A_147:2 = scf.for %scan3A_176 = %scan3A_143 to %scan3A_145 step %scan3A_146 iter_args(%scan3A_177 = %broadcast_in_dim3A_5, %scan3A_178 = %iota3A) -> (vector<16xi32>, vector<16xi32>)  : i32 {
        %mul3A_179 = arith.constant 8 : i32
        %mul3A_180 = arith.muli %scan3A_176, %mul3A_179 : i32
        %add3A_181 = arith.constant 0 : i32
        %add3A_182 = arith.addi %mul3A_180, %add3A_181 : i32
        %mul3A_183 = arith.constant 16 : i32
        %mul3A_184 = arith.muli %add3A_182, %mul3A_183 : i32
        %get3A = arith.index_cast %mul3A_184 : i32 to index
        %get3A_185 = tpu.vector_load %arg5[%get3A] {strides = array<i32>} : memref<8192xf32, #tpu.memory_space<vmem>>, vector<16xf32>,
        %gt3A_186 = arith.cmpf ogt, %get3A_185, %sub3A_142 : vector<16xf32>
        %mul3A_187 = arith.constant 8 : i32
        %mul3A_188 = arith.muli %scan3A_176, %mul3A_187 : i32
        %add3A_189 = arith.constant 1 : i32
        %add3A_190 = arith.addi %mul3A_188, %add3A_189 : i32
        %mul3A_191 = arith.constant 16 : i32
        %mul3A_192 = arith.muli %add3A_190, %mul3A_191 : i32
        %get3A_193 = arith.index_cast %mul3A_192 : i32 to index
        %get3A_194 = tpu.vector_load %arg5[%get3A_193] {strides = array<i32>} : memref<8192xf32, #tpu.memory_space<vmem>>, vector<16xf32>,
        %gt3A_195 = arith.cmpf ogt, %get3A_194, %sub3A_142 : vector<16xf32>
        %or3A = arith.ori %gt3A_186, %gt3A_195 : vector<16xi1>
        %mul3A_196 = arith.constant 8 : i32
        %mul3A_197 = arith.muli %scan3A_176, %mul3A_196 : i32
        %add3A_198 = arith.constant 2 : i32
        %add3A_199 = arith.addi %mul3A_197, %add3A_198 : i32
        %mul3A_200 = arith.constant 16 : i32
        %mul3A_201 = arith.muli %add3A_199, %mul3A_200 : i32
        %get3A_202 = arith.index_cast %mul3A_201 : i32 to index
        %get3A_203 = tpu.vector_load %arg5[%get3A_202] {strides = array<i32>} : memref<8192xf32, #tpu.memory_space<vmem>>, vector<16xf32>,
        %gt3A_204 = arith.cmpf ogt, %get3A_203, %sub3A_142 : vector<16xf32>
        %or3A_205 = arith.ori %or3A, %gt3A_204 : vector<16xi1>
        %mul3A_206 = arith.constant 8 : i32
        %mul3A_207 = arith.muli %scan3A_176, %mul3A_206 : i32
        %add3A_208 = arith.constant 3 : i32
        %add3A_209 = arith.addi %mul3A_207, %add3A_208 : i32
        %mul3A_210 = arith.constant 16 : i32
        %mul3A_211 = arith.muli %add3A_209, %mul3A_210 : i32
        %get3A_212 = arith.index_cast %mul3A_211 : i32 to index
        %get3A_213 = tpu.vector_load %arg5[%get3A_212] {strides = array<i32>} : memref<8192xf32, #tpu.memory_space<vmem>>, vector<16xf32>,
        %gt3A_214 = arith.cmpf ogt, %get3A_213, %sub3A_142 : vector<16xf32>
        %or3A_215 = arith.ori %or3A_205, %gt3A_214 : vector<16xi1>
        %mul3A_216 = arith.constant 8 : i32
        %mul3A_217 = arith.muli %scan3A_176, %mul3A_216 : i32
        %add3A_218 = arith.constant 4 : i32
        %add3A_219 = arith.addi %mul3A_217, %add3A_218 : i32
        %mul3A_220 = arith.constant 16 : i32
        %mul3A_221 = arith.muli %add3A_219, %mul3A_220 : i32
        %get3A_222 = arith.index_cast %mul3A_221 : i32 to index
        %get3A_223 = tpu.vector_load %arg5[%get3A_222] {strides = array<i32>} : memref<8192xf32, #tpu.memory_space<vmem>>, vector<16xf32>,
        %gt3A_224 = arith.cmpf ogt, %get3A_223, %sub3A_142 : vector<16xf32>
        %or3A_225 = arith.ori %or3A_215, %gt3A_224 : vector<16xi1>
        %mul3A_226 = arith.constant 8 : i32
        %mul3A_227 = arith.muli %scan3A_176, %mul3A_226 : i32
        %add3A_228 = arith.constant 5 : i32
        %add3A_229 = arith.addi %mul3A_227, %add3A_228 : i32
        %mul3A_230 = arith.constant 16 : i32
        %mul3A_231 = arith.muli %add3A_229, %mul3A_230 : i32
        %get3A_232 = arith.index_cast %mul3A_231 : i32 to index
        %get3A_233 = tpu.vector_load %arg5[%get3A_232] {strides = array<i32>} : memref<8192xf32, #tpu.memory_space<vmem>>, vector<16xf32>,
        %gt3A_234 = arith.cmpf ogt, %get3A_233, %sub3A_142 : vector<16xf32>
        %or3A_235 = arith.ori %or3A_225, %gt3A_234 : vector<16xi1>
        %mul3A_236 = arith.constant 8 : i32
        %mul3A_237 = arith.muli %scan3A_176, %mul3A_236 : i32
        %add3A_238 = arith.constant 6 : i32
        %add3A_239 = arith.addi %mul3A_237, %add3A_238 : i32
        %mul3A_240 = arith.constant 16 : i32
        %mul3A_241 = arith.muli %add3A_239, %mul3A_240 : i32
        %get3A_242 = arith.index_cast %mul3A_241 : i32 to index
        %get3A_243 = tpu.vector_load %arg5[%get3A_242] {strides = array<i32>} : memref<8192xf32, #tpu.memory_space<vmem>>, vector<16xf32>,
        %gt3A_244 = arith.cmpf ogt, %get3A_243, %sub3A_142 : vector<16xf32>
        %or3A_245 = arith.ori %or3A_235, %gt3A_244 : vector<16xi1>
        %mul3A_246 = arith.constant 8 : i32
        %mul3A_247 = arith.muli %scan3A_176, %mul3A_246 : i32
        %add3A_248 = arith.constant 7 : i32
        %add3A_249 = arith.addi %mul3A_247, %add3A_248 : i32
        %mul3A_250 = arith.constant 16 : i32
        %mul3A_251 = arith.muli %add3A_249, %mul3A_250 : i32
        %get3A_252 = arith.index_cast %mul3A_251 : i32 to index
        %get3A_253 = tpu.vector_load %arg5[%get3A_252] {strides = array<i32>} : memref<8192xf32, #tpu.memory_space<vmem>>, vector<16xf32>,
        %gt3A_254 = arith.cmpf ogt, %get3A_253, %sub3A_142 : vector<16xf32>
        %or3A_255 = arith.ori %or3A_245, %gt3A_254 : vector<16xi1>
        %convert_element_type3A_256 = arith.extui %gt3A_186 : vector<16xi1> to vector<16xi32>
        %add3A_257 = arith.addi %scan3A_177, %convert_element_type3A_256 : vector<16xi32>
        %convert_element_type3A_258 = arith.extui %gt3A_195 : vector<16xi1> to vector<16xi32>
        %add3A_259 = arith.addi %add3A_257, %convert_element_type3A_258 : vector<16xi32>
        %convert_element_type3A_260 = arith.extui %gt3A_204 : vector<16xi1> to vector<16xi32>
        %add3A_261 = arith.addi %add3A_259, %convert_element_type3A_260 : vector<16xi32>
        %convert_element_type3A_262 = arith.extui %gt3A_214 : vector<16xi1> to vector<16xi32>
        %add3A_263 = arith.addi %add3A_261, %convert_element_type3A_262 : vector<16xi32>
        %convert_element_type3A_264 = arith.extui %gt3A_224 : vector<16xi1> to vector<16xi32>
        %add3A_265 = arith.addi %add3A_263, %convert_element_type3A_264 : vector<16xi32>
        %convert_element_type3A_266 = arith.extui %gt3A_234 : vector<16xi1> to vector<16xi32>
        %add3A_267 = arith.addi %add3A_265, %convert_element_type3A_266 : vector<16xi32>
        %convert_element_type3A_268 = arith.extui %gt3A_244 : vector<16xi1> to vector<16xi32>
        %add3A_269 = arith.addi %add3A_267, %convert_element_type3A_268 : vector<16xi32>
        %convert_element_type3A_270 = arith.extui %gt3A_254 : vector<16xi1> to vector<16xi32>
        %add3A_271 = arith.addi %add3A_269, %convert_element_type3A_270 : vector<16xi32>
        %all_reduce_population_count3A = tpu.all_reduce %or3A_255 {dim = 0 : i64, kind = #tpu.reduction_kind<sum>} : vector<16xi1> -> vector<16xi32>
        %slice3A = vector.extract_strided_slice %all_reduce_population_count3A {offsets = [0], sizes = [1], strides = [1]} : vector<16xi32> to vector<1xi32>
        %squeeze3A = vector.extract %slice3A[0] : i32 from vector<1xi32>
        %gt3A_272 = arith.constant 0 : i32
        %gt3A_273 = arith.cmpi sgt, %squeeze3A, %gt3A_272 : i32
        %convert_element_type3A_274 = arith.extui %gt3A_273 : i1 to i32
        %cond3A_275 = arith.constant 0 : i32
        %cond3A_276 = arith.cmpi ne, %convert_element_type3A_274, %cond3A_275 : i32
        scf.if %cond3A_276 {
          %mul3A_280 = arith.constant 16 : i32
          %mul3A_281 = vector.broadcast %mul3A_280 : i32 to vector<16xi32>
          %mul3A_282 = arith.muli %scan3A_177, %mul3A_281 : vector<16xi32>
          %add3A_283 = arith.addi %mul3A_282, %iota3A : vector<16xi32>
          %add3A_284 = arith.constant 0 : i32
          %add3A_285 = vector.broadcast %add3A_284 : i32 to vector<16xi32>
          %add3A_286 = arith.addi %scan3A_178, %add3A_285 : vector<16xi32>
          tpu.vector_store_idx %arg8[%add3A_283], %add3A_286 masked %gt3A_186 : memref<8208xi32, #tpu.memory_space<vmem>>[vector<16xi32>], vector<16xi32>, vector<16xi1>
          %mul3A_287 = arith.constant 16 : i32
          %mul3A_288 = vector.broadcast %mul3A_287 : i32 to vector<16xi32>
          %mul3A_289 = arith.muli %add3A_257, %mul3A_288 : vector<16xi32>
          %add3A_290 = arith.addi %mul3A_289, %iota3A : vector<16xi32>
          %add3A_291 = arith.constant 16 : i32
          %add3A_292 = vector.broadcast %add3A_291 : i32 to vector<16xi32>
          %add3A_293 = arith.addi %scan3A_178, %add3A_292 : vector<16xi32>
          tpu.vector_store_idx %arg8[%add3A_290], %add3A_293 masked %gt3A_195 : memref<8208xi32, #tpu.memory_space<vmem>>[vector<16xi32>], vector<16xi32>, vector<16xi1>
          %mul3A_294 = arith.constant 16 : i32
          %mul3A_295 = vector.broadcast %mul3A_294 : i32 to vector<16xi32>
          %mul3A_296 = arith.muli %add3A_259, %mul3A_295 : vector<16xi32>
          %add3A_297 = arith.addi %mul3A_296, %iota3A : vector<16xi32>
          %add3A_298 = arith.constant 32 : i32
          %add3A_299 = vector.broadcast %add3A_298 : i32 to vector<16xi32>
          %add3A_300 = arith.addi %scan3A_178, %add3A_299 : vector<16xi32>
          tpu.vector_store_idx %arg8[%add3A_297], %add3A_300 masked %gt3A_204 : memref<8208xi32, #tpu.memory_space<vmem>>[vector<16xi32>], vector<16xi32>, vector<16xi1>
          %mul3A_301 = arith.constant 16 : i32
          %mul3A_302 = vector.broadcast %mul3A_301 : i32 to vector<16xi32>
          %mul3A_303 = arith.muli %add3A_261, %mul3A_302 : vector<16xi32>
          %add3A_304 = arith.addi %mul3A_303, %iota3A : vector<16xi32>
          %add3A_305 = arith.constant 48 : i32
          %add3A_306 = vector.broadcast %add3A_305 : i32 to vector<16xi32>
          %add3A_307 = arith.addi %scan3A_178, %add3A_306 : vector<16xi32>
          tpu.vector_store_idx %arg8[%add3A_304], %add3A_307 masked %gt3A_214 : memref<8208xi32, #tpu.memory_space<vmem>>[vector<16xi32>], vector<16xi32>, vector<16xi1>
          %mul3A_308 = arith.constant 16 : i32
          %mul3A_309 = vector.broadcast %mul3A_308 : i32 to vector<16xi32>
          %mul3A_310 = arith.muli %add3A_263, %mul3A_309 : vector<16xi32>
          %add3A_311 = arith.addi %mul3A_310, %iota3A : vector<16xi32>
          %add3A_312 = arith.constant 64 : i32
          %add3A_313 = vector.broadcast %add3A_312 : i32 to vector<16xi32>
          %add3A_314 = arith.addi %scan3A_178, %add3A_313 : vector<16xi32>
          tpu.vector_store_idx %arg8[%add3A_311], %add3A_314 masked %gt3A_224 : memref<8208xi32, #tpu.memory_space<vmem>>[vector<16xi32>], vector<16xi32>, vector<16xi1>
          %mul3A_315 = arith.constant 16 : i32
          %mul3A_316 = vector.broadcast %mul3A_315 : i32 to vector<16xi32>
          %mul3A_317 = arith.muli %add3A_265, %mul3A_316 : vector<16xi32>
          %add3A_318 = arith.addi %mul3A_317, %iota3A : vector<16xi32>
          %add3A_319 = arith.constant 80 : i32
          %add3A_320 = vector.broadcast %add3A_319 : i32 to vector<16xi32>
          %add3A_321 = arith.addi %scan3A_178, %add3A_320 : vector<16xi32>
          tpu.vector_store_idx %arg8[%add3A_318], %add3A_321 masked %gt3A_234 : memref<8208xi32, #tpu.memory_space<vmem>>[vector<16xi32>], vector<16xi32>, vector<16xi1>
          %mul3A_322 = arith.constant 16 : i32
          %mul3A_323 = vector.broadcast %mul3A_322 : i32 to vector<16xi32>
          %mul3A_324 = arith.muli %add3A_267, %mul3A_323 : vector<16xi32>
          %add3A_325 = arith.addi %mul3A_324, %iota3A : vector<16xi32>
          %add3A_326 = arith.constant 96 : i32
          %add3A_327 = vector.broadcast %add3A_326 : i32 to vector<16xi32>
          %add3A_328 = arith.addi %scan3A_178, %add3A_327 : vector<16xi32>
          tpu.vector_store_idx %arg8[%add3A_325], %add3A_328 masked %gt3A_244 : memref<8208xi32, #tpu.memory_space<vmem>>[vector<16xi32>], vector<16xi32>, vector<16xi1>
          %mul3A_329 = arith.constant 16 : i32
          %mul3A_330 = vector.broadcast %mul3A_329 : i32 to vector<16xi32>
          %mul3A_331 = arith.muli %add3A_269, %mul3A_330 : vector<16xi32>
          %add3A_332 = arith.addi %mul3A_331, %iota3A : vector<16xi32>
          %add3A_333 = arith.constant 112 : i32
          %add3A_334 = vector.broadcast %add3A_333 : i32 to vector<16xi32>
          %add3A_335 = arith.addi %scan3A_178, %add3A_334 : vector<16xi32>
          tpu.vector_store_idx %arg8[%add3A_332], %add3A_335 masked %gt3A_254 : memref<8208xi32, #tpu.memory_space<vmem>>[vector<16xi32>], vector<16xi32>, vector<16xi1>
        } else {
        }
        %add3A_277 = arith.constant 128 : i32
        %add3A_278 = vector.broadcast %add3A_277 : i32 to vector<16xi32>
        %add3A_279 = arith.addi %scan3A_178, %add3A_278 : vector<16xi32>
        scf.yield %add3A_271, %add3A_279 : vector<16xi32>, vector<16xi32>
      }
      %scan3A_148 = arith.constant 64 : i32
      %reduce_max3A_149 = arith.constant true
      %reduce_max3A_150 = vector.broadcast %reduce_max3A_149 : i1 to vector<16xi1>
      %reduce_max3A_151 = arith.constant -2147483648 : i32
      %reduce_max3A_152 = vector.broadcast %reduce_max3A_151 : i32 to vector<16xi32>
      %reduce_max3A_153 = arith.xori %scan3A_147#0, %reduce_max3A_152 : vector<16xi32>
      %reduce_max3A_154 = tpu.scan <max>, %reduce_max3A_153 masked %reduce_max3A_150 : vector<16xi32>, vector<16xi1> -> vector<16xi32>
      %reduce_max3A_155 = arith.xori %reduce_max3A_154, %reduce_max3A_152 : vector<16xi32>
      %reduce_max3A_156 = vector.extract %reduce_max3A_155[15] : i32 from vector<16xi32>
      %while3A_157 = arith.constant -1 : i32
      %while3A_158 = arith.constant false
      %while3A_159:3 = scf.while (%while3A_176 = %sub3A_142, %while3A_177 = %while3A_157, %while3A_178 = %while3A_158) : (vector<16xf32>, i32, i1) -> (vector<16xf32>, i32, i1) {
        %not3A = arith.constant true
        %not3A_179 = arith.xori %while3A_178, %not3A : i1
        scf.condition(%not3A_179) %while3A_176, %while3A_177, %while3A_178 : vector<16xf32>, i32, i1
      } do {
      ^bb0(%while3A_176: vector<16xf32>, %while3A_177: i32, %while3A_178: i1):
        %while3A_179 = arith.constant 0 : i32
        %while3A_180 = arith.subi %reduce_max3A_156, %while3A_179 : i32
        %while3A_181 = arith.addi %while3A_179, %while3A_180 : i32
        %while3A_182 = arith.constant 1 : i32
        %while3A_183 = arith.divsi %while3A_180, %while3A_182 : i32
        %while3A_184 = arith.muli %while3A_183, %while3A_182 : i32
        %while3A_185 = arith.addi %while3A_179, %while3A_184 : i32
        %while3A_186 = arith.constant 1 : i32
        %while3A_187:2 = scf.for %while3A_203 = %while3A_179 to %while3A_185 step %while3A_186 iter_args(%while3A_204 = %broadcast_in_dim3A_3, %while3A_205 = %broadcast_in_dim3A_5) -> (vector<16xf32>, vector<16xi32>)  : i32 {
          %lt3A_206 = vector.broadcast %while3A_203 : i32 to vector<16xi32>
          %lt3A_207 = arith.cmpi slt, %lt3A_206, %scan3A_147#0 : vector<16xi32>
          %mul3A_208 = arith.constant 16 : i32
          %mul3A_209 = arith.muli %while3A_203, %mul3A_208 : i32
          %get3A = arith.index_cast %mul3A_209 : i32 to index
          %get3A_210 = tpu.vector_load %arg8[%get3A] {strides = array<i32>} : memref<8208xi32, #tpu.memory_space<vmem>>, vector<16xi32>,
          %gather3A = tpu.vector_load_idx %arg5[%get3A_210] masked %lt3A_207 : memref<8192xf32, #tpu.memory_space<vmem>>[vector<16xi32>], vector<16xf32>, vector<16xi1>
          %gt3A_211 = arith.cmpf ogt, %gather3A, %while3A_176 : vector<16xf32>
          %and3A = arith.andi %gt3A_211, %lt3A_207 : vector<16xi1>
          %select_n3A = arith.select %and3A, %gather3A, %broadcast_in_dim3A_3 : vector<16xi1>, vector<16xf32>
          %add3A_212 = arith.addf %while3A_204, %select_n3A : vector<16xf32>
          %convert_element_type3A_213 = arith.extui %and3A : vector<16xi1> to vector<16xi32>
          %add3A_214 = arith.addi %while3A_205, %convert_element_type3A_213 : vector<16xi32>
          scf.yield %add3A_212, %add3A_214 : vector<16xf32>, vector<16xi32>
        }
        %while3A_188 = arith.constant 1 : i32
        %while3A_189:2 = scf.for %while3A_203 = %while3A_185 to %while3A_181 step %while3A_188 iter_args(%while3A_204 = %while3A_187#0, %while3A_205 = %while3A_187#1) -> (vector<16xf32>, vector<16xi32>)  : i32 {
          %lt3A_206 = vector.broadcast %while3A_203 : i32 to vector<16xi32>
          %lt3A_207 = arith.cmpi slt, %lt3A_206, %scan3A_147#0 : vector<16xi32>
          %mul3A_208 = arith.constant 16 : i32
          %mul3A_209 = arith.muli %while3A_203, %mul3A_208 : i32
          %get3A = arith.index_cast %mul3A_209 : i32 to index
          %get3A_210 = tpu.vector_load %arg8[%get3A] {strides = array<i32>} : memref<8208xi32, #tpu.memory_space<vmem>>, vector<16xi32>,
          %gather3A = tpu.vector_load_idx %arg5[%get3A_210] masked %lt3A_207 : memref<8192xf32, #tpu.memory_space<vmem>>[vector<16xi32>], vector<16xf32>, vector<16xi1>
          %gt3A_211 = arith.cmpf ogt, %gather3A, %while3A_176 : vector<16xf32>
          %and3A = arith.andi %gt3A_211, %lt3A_207 : vector<16xi1>
          %select_n3A = arith.select %and3A, %gather3A, %broadcast_in_dim3A_3 : vector<16xi1>, vector<16xf32>
          %add3A_212 = arith.addf %while3A_204, %select_n3A : vector<16xf32>
          %convert_element_type3A_213 = arith.extui %and3A : vector<16xi1> to vector<16xi32>
          %add3A_214 = arith.addi %while3A_205, %convert_element_type3A_213 : vector<16xi32>
          scf.yield %add3A_212, %add3A_214 : vector<16xf32>, vector<16xi32>
        }
        %reduce_sum3A = arith.constant true
        %reduce_sum3A_190 = vector.broadcast %reduce_sum3A : i1 to vector<16xi1>
        %reduce_sum3A_191 = tpu.scan <sum>, %while3A_189#1 masked %reduce_sum3A_190 : vector<16xi32>, vector<16xi1> -> vector<16xi32>
        %reduce_sum3A_192 = vector.extract %reduce_sum3A_191[15] : i32 from vector<16xi32>
        %reduce_sum3A_193 = arith.constant true
        %reduce_sum3A_194 = vector.broadcast %reduce_sum3A_193 : i1 to vector<16xi1>
        %reduce_sum3A_195 = tpu.scan <sum>, %while3A_189#0 masked %reduce_sum3A_194 : vector<16xf32>, vector<16xi1> -> vector<16xf32>
        %reduce_sum3A_196 = vector.extract %reduce_sum3A_195[15] : f32 from vector<16xf32>
        %broadcast_in_dim3A_197 = vector.broadcast %reduce_sum3A_196 : f32 to vector<16xf32>
        %sub3A_198 = arith.constant 1.000000e+00 : f32
        %sub3A_199 = vector.broadcast %sub3A_198 : f32 to vector<16xf32>
        %sub3A_200 = arith.subf %broadcast_in_dim3A_197, %sub3A_199 : vector<16xf32>
        %broadcast_in_dim3A_201 = vector.broadcast %reduce_sum3A_192 : i32 to vector<16xi32>
        %convert_element_type3A_202 = arith.sitofp %broadcast_in_dim3A_201 : vector<16xi32> to vector<16xf32>
        %div3A = arith.divf %sub3A_200, %convert_element_type3A_202 : vector<16xf32>
        %eq3A = arith.cmpi eq, %reduce_sum3A_192, %while3A_177 : i32
        scf.yield %div3A, %reduce_sum3A_192, %eq3A : vector<16xf32>, i32, i1
      }
      %while3A_160 = arith.constant 0 : i32
      %while3A_161 = arith.constant 0 : i32
      %while3A_162 = arith.subi %reduce_max3A_156, %while3A_161 : i32
      %while3A_163 = arith.addi %while3A_161, %while3A_162 : i32
      %while3A_164 = arith.constant 1 : i32
      %while3A_165 = arith.divsi %while3A_162, %while3A_164 : i32
      %while3A_166 = arith.muli %while3A_165, %while3A_164 : i32
      %while3A_167 = arith.addi %while3A_161, %while3A_166 : i32
      %while3A_168 = arith.constant 1 : i32
      scf.for %while3A_176 = %while3A_161 to %while3A_167 step %while3A_168  : i32 {
        %lt3A_177 = vector.broadcast %while3A_176 : i32 to vector<16xi32>
        %lt3A_178 = arith.cmpi slt, %lt3A_177, %scan3A_147#0 : vector<16xi32>
        %mul3A_179 = arith.constant 16 : i32
        %mul3A_180 = arith.muli %while3A_176, %mul3A_179 : i32
        %get3A = arith.index_cast %mul3A_180 : i32 to index
        %get3A_181 = tpu.vector_load %arg8[%get3A] {strides = array<i32>} : memref<8208xi32, #tpu.memory_space<vmem>>, vector<16xi32>,
        %gather3A = tpu.vector_load_idx %arg5[%get3A_181] masked %lt3A_178 : memref<8192xf32, #tpu.memory_space<vmem>>[vector<16xi32>], vector<16xf32>, vector<16xi1>
        %gt3A_182 = arith.cmpf ogt, %gather3A, %while3A_159#0 : vector<16xf32>
        %and3A = arith.andi %gt3A_182, %lt3A_178 : vector<16xi1>
        %sub3A_183 = arith.subf %gather3A, %while3A_159#0 : vector<16xf32>
        tpu.vector_store_idx %arg7[%get3A_181], %sub3A_183 masked %and3A : memref<8192xf32, #tpu.memory_space<vmem>>[vector<16xi32>], vector<16xf32>, vector<16xi1>
      }
      %while3A_169 = arith.constant 1 : i32
      scf.for %while3A_176 = %while3A_167 to %while3A_163 step %while3A_169  : i32 {
        %lt3A_177 = vector.broadcast %while3A_176 : i32 to vector<16xi32>
        %lt3A_178 = arith.cmpi slt, %lt3A_177, %scan3A_147#0 : vector<16xi32>
        %mul3A_179 = arith.constant 16 : i32
        %mul3A_180 = arith.muli %while3A_176, %mul3A_179 : i32
        %get3A = arith.index_cast %mul3A_180 : i32 to index
        %get3A_181 = tpu.vector_load %arg8[%get3A] {strides = array<i32>} : memref<8208xi32, #tpu.memory_space<vmem>>, vector<16xi32>,
        %gather3A = tpu.vector_load_idx %arg5[%get3A_181] masked %lt3A_178 : memref<8192xf32, #tpu.memory_space<vmem>>[vector<16xi32>], vector<16xf32>, vector<16xi1>
        %gt3A_182 = arith.cmpf ogt, %gather3A, %while3A_159#0 : vector<16xf32>
        %and3A = arith.andi %gt3A_182, %lt3A_178 : vector<16xi1>
        %sub3A_183 = arith.subf %gather3A, %while3A_159#0 : vector<16xf32>
        tpu.vector_store_idx %arg7[%get3A_181], %sub3A_183 masked %and3A : memref<8192xf32, #tpu.memory_space<vmem>>[vector<16xi32>], vector<16xf32>, vector<16xi1>
      }
      %dma_start3A_170 = arith.constant 0 : i32
      %dma_start3A_171 = tpu.memref_slice %arg3[%add3A_41, %dma_start3A_170] : memref<2048x8192xf32, #tpu.memory_space<hbm>> -> memref<1x8192xf32, #tpu.memory_space<hbm>>
      %dma_start3A_172 = tpu.memref_squeeze %dma_start3A_171 : memref<1x8192xf32, #tpu.memory_space<hbm>> -> memref<8192xf32, #tpu.memory_space<hbm>>
      %dma_start3A_173 = arith.constant 0 : i32
      %dma_start3A_174 = tpu.memref_slice %arg3[%add3A_41, %dma_start3A_173] : memref<2048x8192xf32, #tpu.memory_space<hbm>> -> memref<1x8192xf32, #tpu.memory_space<hbm>>
      %dma_start3A_175 = tpu.memref_squeeze %dma_start3A_174 : memref<1x8192xf32, #tpu.memory_space<hbm>> -> memref<8192xf32, #tpu.memory_space<hbm>>
      tpu.enqueue_dma source(%arg7 : memref<8192xf32, #tpu.memory_space<vmem>>) target(%dma_start3A_175 : memref<8192xf32, #tpu.memory_space<hbm>>) target_semaphore(%arg12 : memref<!tpu.dma_semaphore, #tpu.memory_space<semaphore_mem>>)
    }
    %scan3A_17 = arith.constant 32 : i32
    %add3A_18 = arith.constant 64 : i32
    %add3A_19 = arith.addi %mul3A_2, %add3A_18 : i32
    %sub3A = arith.constant 2 : i32
    %sub3A_20 = arith.subi %add3A_19, %sub3A : i32
    %dma_wait3A = arith.constant 0 : i32
    %dma_wait3A_21 = tpu.memref_slice %arg3[%sub3A_20, %dma_wait3A] : memref<2048x8192xf32, #tpu.memory_space<hbm>> -> memref<1x8192xf32, #tpu.memory_space<hbm>>
    %dma_wait3A_22 = tpu.memref_squeeze %dma_wait3A_21 : memref<1x8192xf32, #tpu.memory_space<hbm>> -> memref<8192xf32, #tpu.memory_space<hbm>>
    %dma_wait3A_23 = arith.constant 0 : i32
    %dma_wait3A_24 = tpu.memref_slice %arg3[%sub3A_20, %dma_wait3A_23] : memref<2048x8192xf32, #tpu.memory_space<hbm>> -> memref<1x8192xf32, #tpu.memory_space<hbm>>
    %dma_wait3A_25 = tpu.memref_squeeze %dma_wait3A_24 : memref<1x8192xf32, #tpu.memory_space<hbm>> -> memref<8192xf32, #tpu.memory_space<hbm>>
    tpu.wait_dma2 semaphore(%arg11 : memref<!tpu.dma_semaphore, #tpu.memory_space<semaphore_mem>>) src(%arg6 : memref<8192xf32, #tpu.memory_space<vmem>>) dst(%dma_wait3A_25 : memref<8192xf32, #tpu.memory_space<hbm>>)
    %add3A_26 = arith.constant 64 : i32
    %add3A_27 = arith.addi %mul3A_2, %add3A_26 : i32
    %sub3A_28 = arith.constant 1 : i32
    %sub3A_29 = arith.subi %add3A_27, %sub3A_28 : i32
    %dma_wait3A_30 = arith.constant 0 : i32
    %dma_wait3A_31 = tpu.memref_slice %arg3[%sub3A_29, %dma_wait3A_30] : memref<2048x8192xf32, #tpu.memory_space<hbm>> -> memref<1x8192xf32, #tpu.memory_space<hbm>>
    %dma_wait3A_32 = tpu.memref_squeeze %dma_wait3A_31 : memref<1x8192xf32, #tpu.memory_space<hbm>> -> memref<8192xf32, #tpu.memory_space<hbm>>
    %dma_wait3A_33 = arith.constant 0 : i32
    %dma_wait3A_34 = tpu.memref_slice %arg3[%sub3A_29, %dma_wait3A_33] : memref<2048x8192xf32, #tpu.memory_space<hbm>> -> memref<1x8192xf32, #tpu.memory_space<hbm>>
    %dma_wait3A_35 = tpu.memref_squeeze %dma_wait3A_34 : memref<1x8192xf32, #tpu.memory_space<hbm>> -> memref<8192xf32, #tpu.memory_space<hbm>>
    tpu.wait_dma2 semaphore(%arg12 : memref<!tpu.dma_semaphore, #tpu.memory_space<semaphore_mem>>) src(%arg7 : memref<8192xf32, #tpu.memory_space<vmem>>) dst(%dma_wait3A_35 : memref<8192xf32, #tpu.memory_space<hbm>>)
    return
  }
}

</mosaic_0001>

<sc_bundles>
// kernel: _sparsemax2d.3.cloned.1.call-start
scs
__scs_entry_jumppad:
0x0: {  	(pc) =	sbr.rel $0x88, $3  }
0x1: {  	(tag) =	ssettag $0x0;
	lr =	simm.s32 $0x1  }
0x2: {  	[smem:$0x3FA0] =	sst lr;
	_ =	strace $0xD0000000  }
0x3: {  	_ = 	snop  }
0x4: {  	_ = 	snop  }
0x5: {  	_ = 	snop  }
0x6: {  	_ = 	snop  }
0x7: {  	_ = 	snop  }
__scs_overlays_trampoline_lowered:
0x8: {  	[smem:$0x3FAF] =	sst s0  }
0x9: {  	[smem:$0x3FB0] =	sst s1  }
0xa: {  	[smem:$0x3FB1] =	sst s2  }
0xb: {  	[smem:$0x3FB2] =	sst s3  }
0xc: {  	[smem:$0x3FB3] =	sst s4  }
0xd: {  	[smem:$0x3FB4] =	sst s5  }
0xe: {  	[smem:$0x3FB5] =	sst s6  }
0xf: {  	[smem:$0x3FB6] =	sst s7  }
0x10: {  	[smem:$0x3FB7] =	sst s8  }
0x11: {  	[smem:$0x3FB8] =	sst s9;
	s0 =	simm.s32 @!p0 $0x0  }
0x12: {  	s1 =	sld [smem:$0x3F9E];
	s0 =	simm.s32 @p0 $0x1  }
0x13: {  	[smem:$0x3FB9] =	sst s0;
	s0 =	simm.s32 @!p1 $0x0  }
0x14: {  	s2 =	sld [smem:$0x3F9D];
	s0 =	simm.s32 @p1 $0x1  }
0x15: {  	[smem:$0x3FBA] =	sst s0;
	s0 =	simm.s32 @!p2 $0x0  }
0x16: {  	s3 =	sld [smem:$0x3FDB];
	s0 =	simm.s32 @p2 $0x1  }
0x17: {  	s4 =	simm.s32 $0x1BF5;
	[smem:$0x3FBC] =	sst s0  }
0x18: {  	s0 =	sld [smem:$0x3F9F];
	_ =	swait.ge [sflag:s4], $0x0  }
0x19: {  	s7 =	sld [smem:$0x3FA0]  }
0x1a: {  	s8 =	sadd.s32 $0xFFFFE003, lr  }
0x1b: {  	s9 =	sadd.s32 $0xFFFFFEF7, lr;
	s5 =	simm.s32 $0xFFFFFFFF;
	p2 =	slt.u32 s8, $0xFFFFF086  }
0x1c: {  	p1 =	slt.u32 s9, $0xF7A;
	s5 =	simm.s32 @!p2 $0x0  }
0x1d: {  	s5 =	simm.s32 @p1 $0x1;
	p0 =	seq.s32 s7, s2  }
0x1e: {  	s7 =	smul.u32 @!p0 $0xF7A, s2;
	p2 =	seq.s32 @!p0 s5, $0x0  }
0x1f: {  	s9 =	smul.u32 $0xF7A, s1;
	s8 =	simm.s32 @!p0 $0x1BF5;
	p2 =	por !p2, p0  }
0x20: {  	[sflag:s8] =	ssyncset.s32 @!p0 $0xFFFFF086;
	s6 =	sadd.s32 @!p0 s3, s7;
	s7 =	simm.s32 @!p0 $0x108  }
0x21: {  	s3 =	sadd.s32 s3, s9;
	s6 =	sadd.s32 @!p0 $0x88, s6;
	s7 =	simm.s32 @p2 $0x1082  }
0x22: {  	[simem:s7], [sflag:s8] =	dma.local @!p0 [hbm:s6], $0xF7A  }
0x23: {  	s9 =	sor.u32 $0xD0000000, s2;
	s6 =	simm.s32 $0x108;
	_ =	swait.ge @!p0 [sflag:s8], $0x0  }
0x24: {  	s3 =	sadd.s32 $0x88, s3;
	s6 =	simm.s32 @!p1 $0x1082;
	[sflag:s4] =	ssyncset.s32 $0xFFFFF086  }
0x25: {  	[simem:s6], [sflag:s4] =	dma.local [hbm:s3], $0xF7A  }
0x26: {  	[smem:$0x3FA0] =	sst s1;
	(tag) =	ssettag s2;
	_ =	strace s9  }
0x27: {  	s1 =	sld [smem:$0x3FB0]  }
0x28: {  	s2 =	sld [smem:$0x3FB1]  }
0x29: {  	s4 =	sld [smem:$0x3FB3]  }
0x2a: {  	p0 =	seq.s32 s5, $0x0;
	s5 =	sld [smem:$0x3FB4]  }
0x2b: {  	s6 =	sld [smem:$0x3FB5]  }
0x2c: {  	s7 =	sld [smem:$0x3FB6]  }
0x2d: {  	s3 =	simm.s32 $0x108;
	s8 =	sld [smem:$0x3FB7]  }
0x2e: {  	s3 =	simm.s32 @!p0 $0x1082;
	s9 =	sld [smem:$0x3FB8]  }
0x2f: {  	lr =	sadd.s32 s0, s3;
	s0 =	sld [smem:$0x3FAF]  }
0x30: {  	s3 =	sld [smem:$0x3FB2]  }
0x31: {  	[smem:$0x3FBB] =	sst s10  }
0x32: {  	s10 =	sld [smem:$0x3FB9];
	_ =	sdelay $0x3  }
0x33: {  	p0 =	seq.s32 s10, $0x1;
	s10 =	sld [smem:$0x3FBB];
	_ =	sdelay $0x3  }
0x34: {  	[smem:$0x3FBB] =	sst s10  }
0x35: {  	s10 =	sld [smem:$0x3FBA];
	_ =	sdelay $0x3  }
0x36: {  	p1 =	seq.s32 s10, $0x1;
	s10 =	sld [smem:$0x3FBB];
	_ =	sdelay $0x3  }
0x37: {  	[smem:$0x3FBB] =	sst s10  }
0x38: {  	s10 =	sld [smem:$0x3FBC]  }
0x39: {  	_ = 	snop;
	(pc) =	sbr.ind lr, $3  }
0x3a: {  	_ = 	snop  }
0x3b: {  	_ = 	snop  }
0x3c: {  	p2 =	seq.s32 s10, $0x1;
	s10 =	sld [smem:$0x3FBB]  }
0x3d: {  	_ =	shalt  }
0x3e: {  	_ =	shalt  }
0x3f: {  	_ =	shalt  }
0x40: {  	_ =	shalt  }
0x41: {  	_ =	shalt  }
0x42: {  	_ =	shalt  }
0x43: {  	_ =	shalt  }
0x44: {  	_ =	shalt  }
0x45: {  	_ =	shalt  }
0x46: {  	_ =	shalt  }
0x47: {  	_ =	shalt  }
0x48: {  	_ =	shalt  }
0x49: {  	_ =	shalt  }
0x4a: {  	_ =	shalt  }
0x4b: {  	_ =	shalt  }
0x4c: {  	_ =	shalt  }
0x4d: {  	_ =	shalt  }
0x4e: {  	_ =	shalt  }
0x4f: {  	_ =	shalt  }
0x50: {  	_ =	shalt  }
0x51: {  	_ =	shalt  }
0x52: {  	_ =	shalt  }
0x53: {  	_ =	shalt  }
0x54: {  	_ =	shalt  }
0x55: {  	_ =	shalt  }
0x56: {  	_ =	shalt  }
0x57: {  	_ =	shalt  }
0x58: {  	_ =	shalt  }
0x59: {  	_ =	shalt  }
0x5a: {  	_ =	shalt  }
0x5b: {  	_ =	shalt  }
0x5c: {  	_ =	shalt  }
0x5d: {  	_ =	shalt  }
0x5e: {  	_ =	shalt  }
0x5f: {  	_ =	shalt  }
0x60: {  	_ =	shalt  }
0x61: {  	_ =	shalt  }
0x62: {  	_ =	shalt  }
0x63: {  	_ =	shalt  }
0x64: {  	_ =	shalt  }
0x65: {  	_ =	shalt  }
0x66: {  	_ =	shalt  }
0x67: {  	_ =	shalt  }
0x68: {  	_ =	shalt  }
0x69: {  	_ =	shalt  }
0x6a: {  	_ =	shalt  }
0x6b: {  	_ =	shalt  }
0x6c: {  	_ =	shalt  }
0x6d: {  	_ =	shalt  }
0x6e: {  	_ =	shalt  }
0x6f: {  	_ =	shalt  }
0x70: {  	_ =	shalt  }
0x71: {  	_ =	shalt  }
0x72: {  	_ =	shalt  }
0x73: {  	_ =	shalt  }
0x74: {  	_ =	shalt  }
0x75: {  	_ =	shalt  }
0x76: {  	_ =	shalt  }
0x77: {  	_ =	shalt  }
0x78: {  	_ =	shalt  }
0x79: {  	_ =	shalt  }
0x7a: {  	_ =	shalt  }
0x7b: {  	_ =	shalt  }
0x7c: {  	_ =	shalt  }
0x7d: {  	_ =	shalt  }
0x7e: {  	_ =	shalt  }
0x7f: {  	_ =	shalt  }
0x80: {  	_ =	shalt  }
0x81: {  	_ =	shalt  }
0x82: {  	_ =	shalt  }
0x83: {  	_ =	shalt  }
0x84: {  	_ =	shalt  }
0x85: {  	_ =	shalt  }
0x86: {  	_ =	shalt  }
0x87: {  	_ =	shalt  }
.Lfunc_end0:
.L_simem_size_0:
called_computation_lowered:
.L_overlay_start_0:
0x88: {  	s2 =	sld [smem:$0x3FD9]  }
0x89: {  	s3 =	sld [smem:$0x3FFE];
	_ =	sdelay $0x1  }
0x8a: {  	s1 =	srdreg.scid  }
0x8b: {  	s0 =	sand.u32 $0x1, s1  }
0x8c: {  	s18 =	sshll.u32 s0, $0xA;
	s2 =	sadd.s32 s3, s2  }
0x8d: {  	s2 =	sadd.s32 s2, s18  }
0x8e: {  	[smem:$0x3FC7] =	sst s2  }
0x8f: {  	_ = 	snop  }
0x90: {  	s2 =	sld [smem:$0x3FC9]  }
0x91: {  	s19 =	sld [smem:$0x3FD0];
	(tm) =	ssettm $0x1  }
0x92: {  	s4 =	sld [smem:$0x3FFB];
	_ =	sdelay $0x3  }
0x93: {  	_ =	strace s4  }
0x94: {  	s4 =	sld [smem:$0x3FFC];
	_ =	sdelay $0x3  }
0x95: {  	_ =	strace s4  }
0x96: {  	s4 =	sld [smem:$0x3FFD];
	_ =	sdelay $0x3  }
0x97: {  	_ =	strace s4  }
0x98: {  	_ =	strace $0x8FFFFFFF  }
0x99: {  	s20 =	sld [smem:$0x3FDB];
	_ =	sdelay $0x1  }
0x9a: {  	s5 =	simm.s32 $_scs_section_size  }
0x9b: {  	s6 =	simm.s32 $_size__tile_overlayer_lowered;
	s7 =	simm.s32 $_tile_overlayer_lowered  }
0x9c: {  	s23 =	simm.s32 $0x1BFF;
	s22 =	sshll.u32 s7, $0x1;
	s4 =	sadd.s32 s5, s20  }
0x9d: {  	s8 =	simm.s32 $0x0;
	s21 =	sshll.u32 s6, $0x1;
	s6 =	sadd.s32 s22, s4  }
0x9e: {  	[timem:s8], [sflag:s23] =	dma.local [hbm:s6], s21  }
0x9f: {  	_ =	swait.ge [sflag:s23], s21  }
0xa0: {  	s5 =	ssub.s32 $0x0, s21;
	[sflag:s23] =	ssyncset.done $0x0  }
0xa1: {  	[sflag:s23] =	ssyncadd.s32 s5;
	_ =	sdelay $0x1  }
0xa2: {  	s24 =	simm.s32 $0x1B8B  }
0xa3: {  	_ =	swait.ge [sflag:s24], $0x1  }
0xa4: {  	[sflag:s24] =	ssyncset.done $0x0  }
0xa5: {  	s25 =	simm.s32 $0x1B8E;
	[sflag:s24] =	ssyncadd.s32 $0xFFFFFFFF  }
0xa6: {  	s26 =	simm.s32 $execute0_lowered;
	[smem:$0x3FD2] =	sst s25  }
0xa7: {  	s5 =	sshll.u32 s26, $0x1;
	_ =	strace $0x80000046;
	[dreg:$0x1] =	wrdreg $0xFFFFFFFF  }
0xa8: {  	s28 =	simm.s32 $_size_execute0_lowered;
	s4 =	sadd.s32 s4, s5;
	[dreg:$0x0] =	wrdreg $0x0  }
0xa9: {  	s5 =	sshll.u32 s28, $0x1;
	[dreg:$0x2] =	wrdreg s4  }
0xaa: {  	[dreg:$0x3] =	wrdreg s5  }
0xab: {  	[dreg:$0x4] =	wrdreg $0xC0  }
0xac: {  	_ =	task [dreg:s8], $0x5FFFF  }
0xad: {  	[dreg:$0x1] =	wrdreg $0xFFFFFFFF  }
0xae: {  	[dreg:$0x0] =	wrdreg $0x60  }
0xaf: {  	[dreg:$0x2] =	wrdreg s2  }
0xb0: {  	[dreg:$0x3] =	wrdreg s19  }
0xb1: {  	[dreg:$0x4] =	wrdreg $0x9  }
0xb2: {  	_ =	task.clear_ibuf [dreg:s8], $0x5FFFF;
	_ =	strace $0x90000046  }
0xb3: {  	s29 =	simm.s32 $0x9;
	_ =	strace $0x80000048  }
0xb4: {  	_ =	swait.ge [sflag:s29], $0x1  }
0xb5: {  	[sflag:s29] =	ssyncadd.s32 $0xFFFFFFFF  }
0xb6: {  	_ =	strace $0x90000048  }
0xb7: {  	_ =	sfence  }
0xb8: {  	s30 =	sld [smem:$0x0];
	_ =	sdelay $0x2  }
0xb9: {  	s31 =	sshll.u32 s1, $0xD;
	s1 =	sshrl.u32 s1, $0x2  }
0xba: {  	s3 =	sand.u32 $0x4000, s31;
	s1 =	sadd.s32 s1, s30  }
0xbb: {  	s0 =	sor.u32 s3, s0;
	s1 =	sshll.u32 s1, $0x11  }
0xbc: {  	s0 =	sor.u32 s1, s0  }
0xbd: {  	s0 =	sadd.s32 $0x8F2B, s0  }
0xbe: {  	[sflag:s0] =	ssyncadd.remote.s32 $0x1  }
0xbf: {  	_ =	sfence.sel $0xFFFF  }
0xc0: {  	[dreg:$0x0] =	wrdreg $0xFFFFFFFF;
	(pc) =	sbr.abs _section_cstart, $3  }
0xc1: {  	[dreg:$0x1] =	wrdreg $0xFFFFFFFF  }
0xc2: {  	_ =	task.clear_ibuf [dreg:s8], $0x2FFFF;
	_ =	strace $0x9FFFFFFF  }
0xc3: {  	(tm) =	ssettm $0x7FFFFFFF  }
tec
execute0_lowered:
.L_overlay_start_1:
0x0: {  	(tag) =	ssettag $0x1  }
0x1: {  	s1 =	rddreg [dreg:$0x0]  }
0x2: {  	s3 =	rddreg [dreg:$0x1]  }
0x3: {  	s0 =	rddreg [dreg:$0x2];
	s5 =	srdreg.scid;
	s4 =	simm.s32 $0x0  }
0x4: {  	s2 =	stileid.u32;
	s9 =	simm.s32 $0x400;
	s10 =	simm.s32 $0x1  }
0x5: {  	s11 =	simm.s32 $0x2000;
	s12 =	simm.s32 $0x4000;
	s13 =	simm.s32 $0x2  }
0x6: {  	s14 =	simm.s32 $0x6000;
	s15 =	simm.s32 $0x3;
	s16 =	simm.s32 $0x4  }
.Ltmp0:
0x7: {  	s17 =	simm.s32 $0x0;
	s5 =	sand.u32 $0x1, s5;
	(pc) =	sbr.rel .LBB2_1-.Ltmp0, $4  }
0x8: {  	s7 =	sshll.u32 s2, $0x7;
	s6 =	ssub.s32 $0x2, s5;
	s5 =	sshll.u32 s5, $0x6  }
0x9: {  	[smem:$0x7FF] =	sst s4;
	s8 =	sshrl.u32 s6, $0x1;
	s5 =	sor.u32 s5, s7  }
0xa: {  	_ =	strace $0x80000047;
	s30 =	ssub.s32 s6, s8;
	s31 =	sshll.u32 s5, $0xA  }
0xb: {  	v0 =	vimm.f32 $0.0e+00;
	v1 =	vimm.s32 $0x0;
	s8 =	simm.s32 $0x80;
	s6 =	sadd.s32 s1, s31;
	s7 =	smax.u32 s30, $0x1  }
.LBB2_29:
0xc: {  	s17 =	sadd.s32 $0x1, s17  }
0xd: {  	_ =	swait.ge [sflag:s15], $0x2000;
	p0 =	sne.s32 s17, s7  }
.Ltmp1:
0xe: {  	[sflag:s15] =	ssyncset.done $0x0;
	(pc) =	sbr.rel @!p0 .LBB2_30-.Ltmp1, $4  }
0xf: {  	[sflag:s15] =	ssyncadd.s32 $0xFFFFE000  }
0x10: {  	_ =	swait.ge [sflag:s16], $0x2000  }
0x11: {  	[sflag:s16] =	ssyncset.done $0x0  }
0x12: {  	[sflag:s16] =	ssyncadd.s32 $0xFFFFE000  }
.LBB2_1:
.Ltmp2:
0x13: {  	(pc) =	sbr.rel .LBB2_2-.Ltmp2, $3  }
0x14: {  	_ =	sdelay $0x1  }
0x15: {  	[tilespmem:s4], [sflag:$0x1] =	stream.strided.gather [hbm4b:s6+s8], $0x2000, s9, s8, $0x38;
	[tilespmem:$0xA080] =	vst v63  }
0x16: {  	s18 =	simm.s32 $0x0  }
.LBB2_28:
0x17: {  	s18 =	sadd.s32 $0x1, s18  }
0x18: {  	p0 =	sne.s32 s18, $0x20  }
.Ltmp3:
0x19: {  	_ = 	snop;
	(pc) =	sbr.rel @!p0 .LBB2_29-.Ltmp3, $3  }
0x1a: {  	_ =	sdelay $0x1  }
0x1b: {  	s19 =	sadd.s32 s3, s19  }
0x1c: {  	[hbm4b:s19+s8] =	stream.strided.scatter [tilespmem:s14], [sflag:$0x4], $0x2000, s9, s8, $0x38;
	[tilespmem:$0xA080] =	vst v63  }
.LBB2_2:
0x1d: {  	s19 =	sshll.u32 s18, $0x1  }
0x1e: {  	s20 =	sadd.s32 s5, s19  }
0x1f: {  	s22 =	sshll.u32 s18, $0x5;
	s19 =	sshll.u32 s20, $0xA  }
0x20: {  	s22 =	sand.u32 $0x60, s22;
	s21 =	sand.u32 $0x1FE000, s19  }
0x21: {  	_ =	swait.ge [sflag:s10], $0x2000;
	s19 =	sor.u32 s22, s21  }
0x22: {  	[sflag:s10] =	ssyncset.done $0x0;
	s19 =	sor.u32 $0x10, s19  }
0x23: {  	p0 =	seq.s32 s18, $0x0;
	[sflag:s10] =	ssyncadd.s32 $0xFFFFE000;
	s23 =	sadd.s32 s1, s19  }
0x24: {  	[tilespmem:s11], [sflag:$0x2] =	stream.strided.gather [hbm4b:s23+s8], $0x2000, s9, s8, $0x38;
	[tilespmem:$0xA080] =	vst v63  }
0x25: {  	s23 =	simm.s32 @!p0 $0x3  }
0x26: {  	_ =	swait.ge @!p0 [sflag:s23], $0x2000  }
0x27: {  	[sflag:s23] =	ssyncset.done @!p0 $0x0  }
0x28: {  	s25 =	simm.s32 $0x0;
	[sflag:s23] =	ssyncadd.s32 @!p0 $0xFFFFE000  }
0x29: {  	v2 =	vld [tilespmem:s25+$0x70];
	[tilespmem:s25+$0x4000] =	vst v0  }
0x2a: {  	v4 =	vld [tilespmem:s25+$0x0];
	[tilespmem:s25+$0x4010] =	vst v0  }
0x2b: {  	v6 =	vld [tilespmem:s25+$0x10];
	[tilespmem:s25+$0x4020] =	vst v0  }
0x2c: {  	v11 =	vld [tilespmem:s25+$0x20];
	[tilespmem:s25+$0x4030] =	vst v0  }
0x2d: {  	v9 =	vld [tilespmem:s25+$0x30];
	[tilespmem:s25+$0x4040] =	vst v0  }
0x2e: {  	v3 =	vimm.f32 $-3.399999950e+38;
	v12 =	vimm.f32 $-3.399999950e+38;
	v7 =	vld [tilespmem:s25+$0x40];
	[tilespmem:s25+$0x4050] =	vst v0  }
0x2f: {  	v8 =	vimm.f32 $-3.399999950e+38;
	v13 =	vld [tilespmem:s25+$0x50];
	[tilespmem:s25+$0x4060] =	vst v0;
	v2 =	vmax.f32 v3, v2;
	v5 =	vmax.f32 v3, v4  }
0x30: {  	s24 =	simm.s32 $0x400;
	s23 =	simm.s32 $0x80;
	v14 =	vld [tilespmem:s25+$0x60];
	[tilespmem:s25+$0x4070] =	vst v0;
	v10 =	vmax.f32 v3, v6;
	v6 =	vimm.f32 $-3.399999950e+38;
	v4 =	vimm.f32 $-3.399999950e+38  }
.LBB2_3:
0x31: {  	p0 =	sne.s32 s24, $0x7E00;
	[tilespmem:s23+$0x4000] =	vst v0;
	v15 =	vld [tilespmem:s23+$0x70];
	v3 =	vmax.f32 v3, v11  }
0x32: {  	v16 =	vld [tilespmem:s23+$0x0];
	[tilespmem:s23+$0x4010] =	vst v0;
	v6 =	vmax.f32 v6, v9  }
0x33: {  	v17 =	vld [tilespmem:s23+$0x10];
	[tilespmem:s23+$0x4020] =	vst v0;
	v12 =	vmax.f32 v12, v7  }
.Ltmp4:
0x34: {  	v11 =	vld [tilespmem:s23+$0x20];
	[tilespmem:s23+$0x4030] =	vst v0;
	v8 =	vmax.f32 v8, v13;
	(pc) =	sbr.rel @p0 .LBB2_3-.Ltmp4, $4  }
0x35: {  	v9 =	vld [tilespmem:s23+$0x30];
	[tilespmem:s23+$0x4040] =	vst v0;
	v4 =	vmax.f32 v4, v14  }
0x36: {  	v7 =	vld [tilespmem:s23+$0x40];
	[tilespmem:s23+$0x4050] =	vst v0;
	v2 =	vmax.f32 v2, v15  }
0x37: {  	v5 =	vmax.f32 v5, v16;
	v13 =	vld [tilespmem:s23+$0x50];
	[tilespmem:s23+$0x4060] =	vst v0  }
0x38: {  	v10 =	vmax.f32 v10, v17;
	v14 =	vld [tilespmem:s23+$0x60];
	[tilespmem:s23+$0x4070] =	vst v0;
	s23 =	sshra.s32 s24, $0x2;
	s24 =	sadd.s32 $0x200, s24  }
0x39: {  	v16 =	vld [tilespmem:s23+$0x0]  }
0x3a: {  	v17 =	vld [tilespmem:s23+$0x10]  }
0x3b: {  	v18 =	vld [tilespmem:s23+$0x20]  }
0x3c: {  	v19 =	vld [tilespmem:s23+$0x30]  }
0x3d: {  	v20 =	vld [tilespmem:s23+$0x40]  }
0x3e: {  	v21 =	vld [tilespmem:s23+$0x50]  }
0x3f: {  	v3 =	vmax.f32 v3, v11;
	v11 =	vld [tilespmem:s23+$0x60];
	v5 =	vmax.f32 v5, v16;
	v10 =	vmax.f32 v10, v17  }
0x40: {  	v15 =	vld [tilespmem:s23+$0x70];
	v6 =	vmax.f32 v6, v9;
	v3 =	vmax.f32 v3, v18;
	v5 =	vmax.f32 v5, v10  }
0x41: {  	v7 =	vmax.f32 v12, v7;
	v6 =	vmax.f32 v6, v19;
	v3 =	vmax.f32 v5, v3  }
0x42: {  	v7 =	vmax.f32 v7, v20;
	v5 =	vmax.f32 v8, v13;
	v3 =	vmax.f32 v3, v6  }
0x43: {  	v4 =	vmax.f32 v4, v14;
	v5 =	vmax.f32 v5, v21;
	v3 =	vmax.f32 v3, v7  }
0x44: {  	[tilespmem:s23+$0x4000] =	vst v0;
	v4 =	vmax.f32 v4, v11;
	v3 =	vmax.f32 v3, v5  }
0x45: {  	[tilespmem:s23+$0x4010] =	vst v0;
	v2 =	vmax.f32 v2, v15;
	v3 =	vmax.f32 v3, v4  }
0x46: {  	[tilespmem:s23+$0x4020] =	vst v0;
	v2 =	vmax.f32 v3, v2  }
0x47: {  	[tilespmem:s23+$0x4030] =	vst v0;
	(xrf0) =	vmax.scan.msk.f32 $0xffff, v2  }
0x48: {  	[tilespmem:s23+$0x4040] =	vst v0  }
0x49: {  	[tilespmem:s23+$0x4050] =	vst v0  }
0x4a: {  	[tilespmem:s23+$0x4060] =	vst v0  }
0x4b: {  	[tilespmem:s23+$0x4070] =	vst v0;
	s30 =	simm.s32 $0x0  }
0x4c: {  	v12 =	vld [tilespmem:s30+$0x0]  }
0x4d: {  	v14 =	vld [tilespmem:s30+$0x10];
	v2, _, _ =	vpop (xrf0)  }
0x4e: {  	v11 =	vld [tilespmem:s30+$0x20];
	v2 =	vadd.f32 $-1.000000000e+00, v2  }
0x4f: {  	v10 =	vld [tilespmem:s30+$0x30]  }
0x50: {  	v9 =	vld [tilespmem:s30+$0x40];
	v2 =	vbroadcast v2, $0xF  }
0x51: {  	v8 =	vld [tilespmem:s30+$0x50]  }
0x52: {  	v6 =	vld [tilespmem:s30+$0x60];
	vm1 =	vgt.f32 v12, v2;
	vm2 =	vgt.f32 v14, v2  }
0x53: {  	v7 =	vld [tilespmem:s30+$0x70];
	vm3 =	vgt.f32 v11, v2;
	vm0 =	vmor vm1, vm2  }
0x54: {  	vm4 =	vgt.f32 v10, v2;
	vm0 =	vmor vm0, vm3  }
0x55: {  	vm5 =	vgt.f32 v9, v2;
	vm0 =	vmor vm0, vm4  }
0x56: {  	vm6 =	vgt.f32 v8, v2;
	vm0 =	vmor vm0, vm5  }
0x57: {  	vm7 =	vgt.f32 v6, v2;
	vm0 =	vmor vm0, vm6  }
0x58: {  	vm8 =	vmor vm0, vm7;
	vm0 =	vgt.f32 v7, v2  }
0x59: {  	vm8 =	vmor vm8, vm0  }
0x5a: {  	v3 =	vmpcnt.ones.xlane vm8;
	_ =	sdelay $0x1  }
0x5b: {  	(v2sf) =	vpush v3, $0x0;
	_ =	sdelay $0x9  }
0x5c: {  	v19 =	vimm.s32 $0x0;
	v3 =	vsel vm1, $0x1, v1  }
0x5d: {  	v21 =	vadd.s32 v3, v19;
	v3 =	vsel vm2, $0x1, v1  }
0x5e: {  	v18 =	vadd.s32 v3, v21;
	v3 =	vsel vm3, $0x1, v1  }
0x5f: {  	v17 =	vadd.s32 v3, v18;
	v3 =	vsel vm4, $0x1, v1  }
0x60: {  	v4 =	vlaneseq.u32;
	v5 =	vsel vm5, $0x1, v1;
	v16 =	vadd.s32 v3, v17  }
0x61: {  	v13 =	vsel vm6, $0x1, v1;
	v3 =	vadd.s32 $0x80, v4;
	v15 =	vadd.s32 v5, v16;
	s31 =	spop (v2sf)  }
0x62: {  	v22 =	vsel vm7, $0x1, v1;
	v5 =	vadd.s32 $0x80, v3;
	v13 =	vadd.s32 v13, v15;
	p1 =	slt.s32 s31, $0x1  }
0x63: {  	vm1 =	vgt.f32 @!p1 v14, v2;
	vm2 =	vgt.f32 @!p1 v12, v2;
	v20 =	vshll.u32 @!p1 v19, $0x4  }
0x64: {  	s24 =	simm.s32 $0x400;
	s23 =	simm.s32 $0x80;
	v12 =	vadd.s32 v22, v13;
	v14 =	vlaneseq.u32 @!p1;
	v19 =	vshll.u32 @!p1 v21, $0x4  }
.LBB2_5:
0x65: {  	vm3 =	vgt.f32 @!p1 v11, v2;
	v11 =	vor.u32 @!p1 v14, v20;
	v18 =	vshll.u32 @!p1 v18, $0x4;
	s25 =	smov.u32 s24;
	s24 =	sadd.s32 $0x200, s24  }
0x66: {  	vm4 =	vgt.f32 @!p1 v10, v2;
	v10 =	vor.u32 @!p1 v14, v19;
	v17 =	vshll.u32 @!p1 v17, $0x4;
	p0 =	sne.s32 s24, $0x8000  }
0x67: {  	vm5 =	vgt.f32 @!p1 v9, v2;
	v16 =	vshll.u32 @!p1 v16, $0x4;
	v9 =	vor.u32 @!p1 v14, v18  }
0x68: {  	vm6 =	vgt.f32 @!p1 v8, v2;
	s26 =	simm.s32 @!p1 $0x8000;
	v15 =	vshll.u32 @!p1 v15, $0x4;
	s25 =	sshra.s32 s25, $0x2;
	v8 =	vor.u32 @!p1 v14, v17  }
0x69: {  	vm7 =	vgt.f32 @!p1 v6, v2;
	v6 =	vadd.s32 @!p1 $0x10, v4;
	v16 =	vor.u32 @!p1 v14, v16  }
0x6a: {  	vm8 =	vgt.f32 @!p1 v7, v2;
	v7 =	vor.u32 @!p1 v14, v15;
	[tilespmem:v11+s26+$0x0] =	vst.idx.msk @!p1 vm2, v4;
	v11 =	vshll.u32 @!p1 v13, $0x4  }
0x6b: {  	[tilespmem:v10+s26+$0x0] =	vst.idx.msk @!p1 vm1, v6;
	v6 =	vadd.s32 @!p1 $0x20, v4;
	v10 =	vor.u32 @!p1 v14, v11;
	v11 =	vshll.u32 @!p1 v12, $0x4  }
0x6c: {  	[tilespmem:v9+s26+$0x0] =	vst.idx.msk @!p1 vm3, v6;
	v6 =	vadd.s32 @!p1 $0x30, v4;
	v9 =	vor.u32 @!p1 v14, v11  }
0x6d: {  	[tilespmem:v8+s26+$0x0] =	vst.idx.msk @!p1 vm4, v6;
	v6 =	vadd.s32 @!p1 $0x40, v4  }
0x6e: {  	[tilespmem:v16+s26+$0x0] =	vst.idx.msk @!p1 vm5, v6;
	v6 =	vadd.s32 @!p1 $0x50, v4  }
0x6f: {  	[tilespmem:v7+s26+$0x0] =	vst.idx.msk @!p1 vm6, v6;
	v6 =	vadd.s32 @!p1 $0x60, v4  }
0x70: {  	v7 =	vsel vm0, $0x1, v1;
	[tilespmem:v10+s26+$0x0] =	vst.idx.msk @!p1 vm7, v6;
	v6 =	vadd.s32 @!p1 $0x70, v4;
	v4 =	vmovc v3;
	v3 =	vmov v5  }
0x71: {  	v12 =	vadd.s32 v7, v12;
	[tilespmem:v9+s26+$0x0] =	vst.idx.msk @!p1 vm8, v6  }
0x72: {  	v11 =	vld [tilespmem:s23+$0x20]  }
0x73: {  	v14 =	vld [tilespmem:s23+$0x0]  }
0x74: {  	v19 =	vld [tilespmem:s23+$0x10]  }
0x75: {  	v10 =	vld [tilespmem:s23+$0x30]  }
0x76: {  	v9 =	vld [tilespmem:s23+$0x40];
	_ =	sdelay $0x1  }
0x77: {  	v8 =	vld [tilespmem:s23+$0x50]  }
0x78: {  	vm0 =	vgt.f32 v14, v2;
	vm1 =	vgt.f32 v19, v2;
	v6 =	vld [tilespmem:s23+$0x60]  }
0x79: {  	vm2 =	vgt.f32 v11, v2;
	v13 =	vsel vm0, $0x1, v1;
	vm3 =	vmor vm0, vm1;
	v7 =	vld [tilespmem:s23+$0x70];
	s23 =	smov.u32 s25  }
0x7a: {  	vm4 =	vgt.f32 v10, v2;
	vm0 =	vmor vm3, vm2  }
0x7b: {  	vm5 =	vgt.f32 v9, v2;
	vm0 =	vmor vm0, vm4  }
0x7c: {  	vm0 =	vmor vm0, vm5;
	vm6 =	vgt.f32 v8, v2  }
0x7d: {  	vm0 =	vmor vm0, vm6;
	vm3 =	vgt.f32 v6, v2  }
0x7e: {  	vm7 =	vmor vm0, vm3;
	vm0 =	vgt.f32 v7, v2  }
0x7f: {  	vm7 =	vmor vm7, vm0  }
0x80: {  	v15 =	vmpcnt.ones.xlane vm7;
	_ =	sdelay $0x1  }
0x81: {  	(v2sf) =	vpush v15, $0x0;
	_ =	sdelay $0xa  }
0x82: {  	v21 =	vadd.s32 v13, v12;
	v13 =	vsel vm1, $0x1, v1  }
0x83: {  	v18 =	vadd.s32 v13, v21;
	v13 =	vsel vm2, $0x1, v1  }
0x84: {  	v17 =	vadd.s32 v13, v18;
	v13 =	vsel vm4, $0x1, v1  }
.Ltmp5:
0x85: {  	v16 =	vadd.s32 v13, v17;
	v13 =	vsel vm5, $0x1, v1;
	(pc) =	sbr.rel @p0 .LBB2_5-.Ltmp5, $4  }
0x86: {  	v15 =	vadd.s32 v13, v16;
	v13 =	vsel vm6, $0x1, v1;
	s25 =	spop (v2sf)  }
0x87: {  	v5 =	vadd.s32 $0x80, v5;
	v22 =	vsel vm3, $0x1, v1;
	v13 =	vadd.s32 v13, v15;
	p1 =	slt.s32 s25, $0x1  }
0x88: {  	vm1 =	vgt.f32 @!p1 v19, v2;
	vm2 =	vgt.f32 @!p1 v14, v2;
	v20 =	vshll.u32 @!p1 v12, $0x4  }
0x89: {  	v12 =	vadd.s32 v22, v13;
	v14 =	vlaneseq.u32 @!p1;
	v19 =	vshll.u32 @!p1 v21, $0x4  }
0x8a: {  	vm3 =	vgt.f32 @!p1 v11, v2;
	v5 =	vor.u32 @!p1 v14, v20;
	v11 =	vshll.u32 @!p1 v18, $0x4  }
0x8b: {  	vm4 =	vgt.f32 @!p1 v10, v2;
	v10 =	vor.u32 @!p1 v14, v19;
	v17 =	vshll.u32 @!p1 v17, $0x4  }
0x8c: {  	vm5 =	vgt.f32 @!p1 v9, v2;
	vm6 =	vgt.f32 @!p1 v8, v2;
	v9 =	vor.u32 @!p1 v14, v11  }
0x8d: {  	v15 =	vshll.u32 @!p1 v15, $0x4;
	v11 =	vshll.u32 @!p1 v16, $0x4;
	v8 =	vor.u32 @!p1 v14, v17  }
0x8e: {  	s24 =	simm.s32 @!p1 $0x8000;
	vm7 =	vgt.f32 @!p1 v6, v2;
	v6 =	vadd.s32 @!p1 $0x10, v4;
	v11 =	vor.u32 @!p1 v14, v11  }
0x8f: {  	vm8 =	vgt.f32 @!p1 v7, v2;
	v7 =	vshll.u32 @!p1 v13, $0x4;
	[tilespmem:v5+s24+$0x0] =	vst.idx.msk @!p1 vm2, v4;
	v5 =	vor.u32 @!p1 v14, v15  }
0x90: {  	v7 =	vor.u32 @!p1 v14, v7;
	[tilespmem:v10+s24+$0x0] =	vst.idx.msk @!p1 vm1, v6;
	v6 =	vadd.s32 @!p1 $0x20, v4;
	v10 =	vshll.u32 @!p1 v12, $0x4  }
0x91: {  	[tilespmem:v9+s24+$0x0] =	vst.idx.msk @!p1 vm3, v6;
	v6 =	vadd.s32 @!p1 $0x30, v4;
	v9 =	vor.u32 @!p1 v14, v10  }
0x92: {  	[tilespmem:v8+s24+$0x0] =	vst.idx.msk @!p1 vm4, v6;
	v6 =	vadd.s32 @!p1 $0x40, v4  }
0x93: {  	[tilespmem:v11+s24+$0x0] =	vst.idx.msk @!p1 vm5, v6;
	v6 =	vadd.s32 @!p1 $0x50, v4  }
0x94: {  	[tilespmem:v5+s24+$0x0] =	vst.idx.msk @!p1 vm6, v6;
	v5 =	vadd.s32 @!p1 $0x60, v4  }
0x95: {  	v4 =	vadd.s32 @!p1 $0x70, v4;
	[tilespmem:v7+s24+$0x0] =	vst.idx.msk @!p1 vm7, v5  }
0x96: {  	[tilespmem:v9+s24+$0x0] =	vst.idx.msk @!p1 vm8, v4  }
0x97: {  	v5 =	vld [tilespmem:s23+$0x0]  }
0x98: {  	v6 =	vld [tilespmem:s23+$0x10]  }
0x99: {  	v7 =	vld [tilespmem:s23+$0x20]  }
0x9a: {  	v8 =	vld [tilespmem:s23+$0x30]  }
0x9b: {  	v9 =	vld [tilespmem:s23+$0x40]  }
0x9c: {  	v10 =	vld [tilespmem:s23+$0x50]  }
0x9d: {  	v11 =	vld [tilespmem:s23+$0x60];
	vm1 =	vgt.f32 v5, v2;
	vm2 =	vgt.f32 v6, v2  }
0x9e: {  	v13 =	vld [tilespmem:s23+$0x70];
	vm4 =	vgt.f32 v7, v2;
	vm11 =	vmor vm1, vm2  }
0x9f: {  	vm5 =	vgt.f32 v8, v2;
	vm3 =	vmor vm11, vm4  }
0xa0: {  	vm6 =	vgt.f32 v9, v2;
	vm3 =	vmor vm3, vm5  }
0xa1: {  	vm12 =	vgt.f32 v10, v2;
	vm3 =	vmor vm3, vm6  }
0xa2: {  	vm13 =	vgt.f32 v11, v2;
	vm3 =	vmor vm3, vm12  }
0xa3: {  	v4 =	vsel vm0, $0x1, v1;
	vm15 =	vgt.f32 v13, v2;
	vm14 =	vmor vm3, vm13  }
0xa4: {  	v12 =	vadd.s32 v4, v12;
	v4 =	vsel vm1, $0x1, v1;
	vm0 =	vmor vm14, vm15  }
0xa5: {  	v15 =	vadd.s32 v4, v12;
	v4 =	vsel vm2, $0x1, v1;
	v63 =	vmpcnt.ones.xlane vm0  }
0xa6: {  	v16 =	vadd.s32 v4, v15;
	v4 =	vsel vm4, $0x1, v1  }
0xa7: {  	v14 =	vadd.s32 v4, v16;
	v4 =	vsel vm5, $0x1, v1;
	(v2sf) =	vpush v63, $0x0  }
0xa8: {  	v17 =	vadd.s32 v4, v14;
	v4 =	vsel vm6, $0x1, v1  }
0xa9: {  	v18 =	vadd.s32 v4, v17;
	v4 =	vsel vm12, $0x1, v1  }
0xaa: {  	v19 =	vadd.s32 v4, v18;
	v4 =	vsel vm13, $0x1, v1  }
0xab: {  	v20 =	vadd.s32 v4, v19;
	v4 =	vsel vm15, $0x1, v1  }
0xac: {  	v4 =	vadd.s32 v4, v20  }
0xad: {  	v21 =	vxor.u32 $0x80000000, v4  }
0xae: {  	(xrf0) =	vmax.scan.msk.u32 $0xffff, v21;
	_ =	sdelay $0x5  }
0xaf: {  	v21, _, _ =	vpop (xrf0)  }
0xb0: {  	(v2sf) =	vpush v21, $0xF  }
0xb1: {  	s30 =	spop (v2sf)  }
0xb2: {  	p0 =	slt.s32 s30, $0x1  }
0xb3: {  	vm0 =	vgt.f32 @!p0 v6, v2;
	vm1 =	vgt.f32 @!p0 v5, v2  }
0xb4: {  	v5 =	vshll.u32 @!p0 v12, $0x4;
	v6 =	vlaneseq.u32 @!p0;
	v12 =	vshll.u32 @!p0 v15, $0x4  }
0xb5: {  	vm2 =	vgt.f32 @!p0 v7, v2;
	v7 =	vshll.u32 @!p0 v16, $0x4;
	v5 =	vor.u32 @!p0 v6, v5  }
0xb6: {  	vm3 =	vgt.f32 @!p0 v8, v2;
	vm4 =	vgt.f32 @!p0 v9, v2;
	v8 =	vor.u32 @!p0 v6, v12  }
0xb7: {  	v9 =	vshll.u32 @!p0 v17, $0x4;
	v12 =	vshll.u32 @!p0 v14, $0x4;
	v7 =	vor.u32 @!p0 v6, v7  }
0xb8: {  	vm5 =	vgt.f32 @!p0 v10, v2;
	vm6 =	vgt.f32 @!p0 v11, v2;
	v10 =	vor.u32 @!p0 v6, v12  }
0xb9: {  	s24 =	simm.s32 @!p0 $0x8000;
	v11 =	vadd.s32 @!p0 $0x10, v3;
	v9 =	vor.u32 @!p0 v6, v9;
	v12 =	vshll.u32 @!p0 v18, $0x4  }
0xba: {  	vm7 =	vgt.f32 @!p0 v13, v2;
	[tilespmem:v5+s24+$0x0] =	vst.idx.msk @!p0 vm1, v3;
	v5 =	vor.u32 @!p0 v6, v12;
	v12 =	vshll.u32 @!p0 v19, $0x4  }
0xbb: {  	[tilespmem:v8+s24+$0x0] =	vst.idx.msk @!p0 vm0, v11;
	v8 =	vadd.s32 @!p0 $0x20, v3;
	v11 =	vor.u32 @!p0 v6, v12;
	v12 =	vshll.u32 @!p0 v20, $0x4  }
0xbc: {  	[tilespmem:v7+s24+$0x0] =	vst.idx.msk @!p0 vm2, v8;
	v7 =	vadd.s32 @!p0 $0x30, v3;
	v6 =	vor.u32 @!p0 v6, v12  }
.Ltmp6:
0xbd: {  	[tilespmem:v10+s24+$0x0] =	vst.idx.msk @!p0 vm3, v7;
	v7 =	vadd.s32 @!p0 $0x40, v3;
	(pc) =	sbr.rel .LBB2_7-.Ltmp6, $4  }
0xbe: {  	[tilespmem:v9+s24+$0x0] =	vst.idx.msk @!p0 vm4, v7;
	v7 =	vadd.s32 @!p0 $0x50, v3  }
0xbf: {  	s31 =	spop (v2sf);
	[tilespmem:v5+s24+$0x0] =	vst.idx.msk @!p0 vm5, v7;
	v5 =	vadd.s32 @!p0 $0x60, v3  }
0xc0: {  	s23 =	sxor.u32 $0x80000000, s31;
	v3 =	vadd.s32 @!p0 $0x70, v3;
	[tilespmem:v11+s24+$0x0] =	vst.idx.msk @!p0 vm6, v5  }
0xc1: {  	[tilespmem:v6+s24+$0x0] =	vst.idx.msk @!p0 vm7, v3;
	s24 =	simm.s32 $0xFFFFFFFF;
	p0 =	slt.s32 s23, $0x1  }
.LBB2_10:
0xc2: {  	vm1 =	vgt.f32 v6, v2  }
0xc3: {  	vm0 =	vmand vm0, vm1  }
0xc4: {  	v2 =	vnsel vm0, $0x0, v6;
	v6 =	vsel vm0, $0x1, v1  }
0xc5: {  	v3 =	vadd.f32 v2, v3;
	v5 =	vadd.s32 v6, v5  }
.LBB2_11:
0xc6: {  	(xrf0) =	vadd.scan.msk.s32 $0xffff, v5;
	_ =	sdelay $0x5  }
0xc7: {  	v2, _, _ =	vpop (xrf0)  }
0xc8: {  	(v2sf) =	vpush v2, $0xF;
	_ =	sdelay $0x5  }
0xc9: {  	(xrf2) =	vadd.scan.msk.f32 $0xffff, v3  }
0xca: {  	v2 =	vcvt.s32.f32 v2;
	_ =	sdelay $0x1  }
0xcb: {  	v2 =	vbroadcast v2, $0xF;
	_ =	sdelay $0x1  }
0xcc: {  	(erf) = vrcp.f32 v2;
	_ =	sdelay $0x3  }
0xcd: {  	s25 =	spop (v2sf)  }
0xce: {  	v2, _, _ =	vpop (xrf2);
	p1 =	seq.s32 s25, s24  }
.Ltmp7:
0xcf: {  	v2 =	vadd.f32 $-1.000000000e+00, v2;
	(pc) =	sbr.rel @p1 .LBB2_12-.Ltmp7, $4  }
0xd0: {  	_ = 	snop  }
0xd1: {  	v2 =	vbroadcast v2, $0xF  }
0xd2: {  	v3 =	vpop (erf)  }
0xd3: {  	v2 =	vmul.f32 v3, v2;
	s24 =	smov.u32 s25  }
.LBB2_7:
.Ltmp8:
0xd4: {  	(pc) =	sbr.rel @p0 .LBB2_11-.Ltmp8, $2  }
0xd5: {  	_ =	sdelay $0x2  }
0xd6: {  	v3 =	vimm.f32 $0.0e+00;
	v5 =	vimm.s32 $0x0  }
0xd7: {  	s25 =	simm.s32 $0x8000  }
0xd8: {  	s26 =	simm.s32 $0x0;
	v6 =	vld [tilespmem:s25+$0x0]  }
0xd9: {  	v7 =	vmov s26  }
0xda: {  	vm1 =	vlt.s32 v7, v4;
	_ =	sdelay $0x4  }
0xdb: {  	p1 =	sne.s32 s23, $0x1  }
.Ltmp9:
0xdc: {  	v6 =	vld.idx.msk [tilespmem:v6+s4+$0x0], vm1;
	(pc) =	sbr.rel @!p1 .LBB2_10-.Ltmp9, $2  }
0xdd: {  	_ =	sdelay $0x2  }
0xde: {  	s25 =	simm.s32 $0x1;
	s26 =	simm.s32 $0x8010;
	vm0 =	vmmov vm1  }
.LBB2_9:
0xdf: {  	v7 =	vld [tilespmem:s26+$0x0];
	s28 =	smov.u32 s25;
	s25 =	sadd.s32 $0x1, s25  }
0xe0: {  	v8 =	vmov s28;
	p1 =	sne.s32 s23, s25  }
0xe1: {  	vm1 =	vlt.s32 v8, v4;
	_ =	sdelay $0x1  }
.Ltmp10:
0xe2: {  	(pc) =	sbr.rel @p1 .LBB2_9-.Ltmp10, $4  }
0xe3: {  	vm2 =	vgt.f32 v6, v2  }
0xe4: {  	vm2 =	vmand vm0, vm2;
	vm0 =	vmmov vm1  }
0xe5: {  	v8 =	vnsel vm2, $0x0, v6;
	v9 =	vsel vm2, $0x1, v1  }
0xe6: {  	s26 =	sadd.s32 $0x10, s26;
	v3 =	vadd.f32 v8, v3;
	v5 =	vadd.s32 v9, v5;
	v6 =	vld.idx.msk [tilespmem:v7+s4+$0x0], vm1  }
.Ltmp11:
0xe7: {  	_ = 	snop;
	(pc) =	sbr.rel .LBB2_10-.Ltmp11, $1  }
0xe8: {  	_ =	sdelay $0x3  }
.LBB2_12:
0xe9: {  	p0 =	sgt.s32 s23, $0x0  }
.Ltmp12:
0xea: {  	_ = 	snop;
	(pc) =	sbr.rel @!p0 .LBB2_15-.Ltmp12, $1  }
0xeb: {  	_ =	sdelay $0x3  }
0xec: {  	s24 =	simm.s32 $0x0;
	s25 =	simm.s32 $0x8000  }
.LBB2_14:
0xed: {  	v3 =	vld [tilespmem:s25+$0x0]  }
0xee: {  	v5 =	vmov s24  }
0xef: {  	vm0 =	vlt.s32 v5, v4;
	_ =	sdelay $0x5  }
0xf0: {  	v5 =	vld.idx.msk [tilespmem:v3+s4+$0x0], vm0;
	_ =	sdelay $0x4  }
0xf1: {  	vm1 =	vgt.f32 v5, v2  }
0xf2: {  	s24 =	sadd.s32 $0x1, s24;
	vm0 =	vmand vm0, vm1  }
0xf3: {  	p0 =	sne.s32 s23, s24  }
.Ltmp13:
0xf4: {  	_ = 	snop;
	(pc) =	sbr.rel @p0 .LBB2_14-.Ltmp13, $3  }
0xf5: {  	_ = 	snop  }
0xf6: {  	v5 =	vsub.f32 v5, v2;
	_ =	sdelay $0x1  }
0xf7: {  	s25 =	sadd.s32 $0x10, s25;
	[tilespmem:v3+s12+$0x0] =	vst.idx.msk vm0, v5  }
.LBB2_15:
0xf8: {  	s22 =	sadd.s32 s3, s22;
	p0 =	seq.s32 s18, $0x1F  }
0xf9: {  	s21 =	sadd.s32 s21, s22;
	s20 =	sadd.s32 @!p0 $0x2, s20;
	p1 =	seq.s32 @!p0 s18, $0x0  }
0xfa: {  	[hbm4b:s21+s8] =	stream.strided.scatter [tilespmem:s12], [sflag:$0x3], $0x2000, s9, s8, $0x38;
	[tilespmem:$0xA080] =	vst v63  }
0xfb: {  	s22 =	simm.s32 @!p0 $0x400;
	s23 =	simm.s32 @!p0 $0x0;
	s21 =	sshll.u32 @!p0 s20, $0x4  }
0xfc: {  	s20 =	sshll.u32 @!p0 s20, $0xA;
	_ =	swait.ge [sflag:s13], $0x2000;
	s21 =	sand.u32 @!p0 $0x60, s21  }
0xfd: {  	s20 =	sand.u32 @!p0 $0xFFFE000, s20;
	[sflag:s13] =	ssyncset.done $0x0;
	s21 =	sadd.s32 @!p0 s1, s21  }
0xfe: {  	[sflag:s13] =	ssyncadd.s32 $0xFFFFE000;
	s20 =	sadd.s32 @!p0 s20, s21;
	s21 =	simm.s32 @!p0 $0x80  }
0xff: {  	[tilespmem:s23], [sflag:$0x1] =	stream.strided.gather @!p0 [hbm4b:s20+s21], $0x2000, s22, s21, $0x38;
	[tilespmem:$0xA080] =	vst v63  }
0x100: {  	p0 =	por p0, !p1  }
0x101: {  	_ =	swait.ge @p0 [sflag:s16], $0x2000  }
0x102: {  	[sflag:s16] =	ssyncset.done @p0 $0x0  }
0x103: {  	s31 =	simm.s32 $0x0;
	[sflag:s16] =	ssyncadd.s32 @p0 $0xFFFFE000  }
0x104: {  	v2 =	vld [tilespmem:s31+$0x2070];
	[tilespmem:s31+$0x6000] =	vst v0  }
0x105: {  	v4 =	vld [tilespmem:s31+$0x2000];
	[tilespmem:s31+$0x6010] =	vst v0  }
0x106: {  	v6 =	vld [tilespmem:s31+$0x2010];
	[tilespmem:s31+$0x6020] =	vst v0  }
0x107: {  	v11 =	vld [tilespmem:s31+$0x2020];
	[tilespmem:s31+$0x6030] =	vst v0  }
0x108: {  	v9 =	vld [tilespmem:s31+$0x2030];
	[tilespmem:s31+$0x6040] =	vst v0  }
0x109: {  	v3 =	vimm.f32 $-3.399999950e+38;
	v12 =	vimm.f32 $-3.399999950e+38;
	v7 =	vld [tilespmem:s31+$0x2040];
	[tilespmem:s31+$0x6050] =	vst v0  }
0x10a: {  	v8 =	vimm.f32 $-3.399999950e+38;
	v13 =	vld [tilespmem:s31+$0x2050];
	[tilespmem:s31+$0x6060] =	vst v0;
	v2 =	vmax.f32 v3, v2;
	v5 =	vmax.f32 v3, v4  }
0x10b: {  	s20 =	simm.s32 $0x80;
	s21 =	simm.s32 $0x400;
	v14 =	vld [tilespmem:s31+$0x2060];
	[tilespmem:s31+$0x6070] =	vst v0;
	v10 =	vmax.f32 v3, v6;
	v6 =	vimm.f32 $-3.399999950e+38;
	v4 =	vimm.f32 $-3.399999950e+38  }
.LBB2_16:
0x10c: {  	p0 =	sne.s32 s21, $0x7E00;
	[tilespmem:s20+$0x6000] =	vst v0;
	v15 =	vld [tilespmem:s20+$0x2070];
	v3 =	vmax.f32 v3, v11  }
0x10d: {  	v16 =	vld [tilespmem:s20+$0x2000];
	[tilespmem:s20+$0x6010] =	vst v0;
	v6 =	vmax.f32 v6, v9  }
0x10e: {  	v17 =	vld [tilespmem:s20+$0x2010];
	[tilespmem:s20+$0x6020] =	vst v0;
	v12 =	vmax.f32 v12, v7  }
.Ltmp14:
0x10f: {  	v11 =	vld [tilespmem:s20+$0x2020];
	[tilespmem:s20+$0x6030] =	vst v0;
	v8 =	vmax.f32 v8, v13;
	(pc) =	sbr.rel @p0 .LBB2_16-.Ltmp14, $4  }
0x110: {  	v9 =	vld [tilespmem:s20+$0x2030];
	[tilespmem:s20+$0x6040] =	vst v0;
	v4 =	vmax.f32 v4, v14  }
0x111: {  	v7 =	vld [tilespmem:s20+$0x2040];
	[tilespmem:s20+$0x6050] =	vst v0;
	v2 =	vmax.f32 v2, v15  }
0x112: {  	v5 =	vmax.f32 v5, v16;
	v13 =	vld [tilespmem:s20+$0x2050];
	[tilespmem:s20+$0x6060] =	vst v0  }
0x113: {  	v10 =	vmax.f32 v10, v17;
	v14 =	vld [tilespmem:s20+$0x2060];
	[tilespmem:s20+$0x6070] =	vst v0;
	s20 =	sshra.s32 s21, $0x2;
	s21 =	sadd.s32 $0x200, s21  }
0x114: {  	v16 =	vld [tilespmem:s20+$0x2000]  }
0x115: {  	v17 =	vld [tilespmem:s20+$0x2010]  }
0x116: {  	v18 =	vld [tilespmem:s20+$0x2020]  }
0x117: {  	v19 =	vld [tilespmem:s20+$0x2030]  }
0x118: {  	v20 =	vld [tilespmem:s20+$0x2040]  }
0x119: {  	v21 =	vld [tilespmem:s20+$0x2050]  }
0x11a: {  	v3 =	vmax.f32 v3, v11;
	v11 =	vld [tilespmem:s20+$0x2060];
	v5 =	vmax.f32 v5, v16;
	v10 =	vmax.f32 v10, v17  }
0x11b: {  	v15 =	vld [tilespmem:s20+$0x2070];
	v6 =	vmax.f32 v6, v9;
	v3 =	vmax.f32 v3, v18;
	v5 =	vmax.f32 v5, v10  }
0x11c: {  	v7 =	vmax.f32 v12, v7;
	v6 =	vmax.f32 v6, v19;
	v3 =	vmax.f32 v5, v3  }
0x11d: {  	v7 =	vmax.f32 v7, v20;
	v5 =	vmax.f32 v8, v13;
	v3 =	vmax.f32 v3, v6  }
0x11e: {  	v4 =	vmax.f32 v4, v14;
	v5 =	vmax.f32 v5, v21;
	v3 =	vmax.f32 v3, v7  }
0x11f: {  	[tilespmem:s20+$0x6000] =	vst v0;
	v4 =	vmax.f32 v4, v11;
	v3 =	vmax.f32 v3, v5  }
0x120: {  	[tilespmem:s20+$0x6010] =	vst v0;
	v2 =	vmax.f32 v2, v15;
	v3 =	vmax.f32 v3, v4  }
0x121: {  	[tilespmem:s20+$0x6020] =	vst v0;
	v2 =	vmax.f32 v3, v2  }
0x122: {  	[tilespmem:s20+$0x6030] =	vst v0;
	(xrf0) =	vmax.scan.msk.f32 $0xffff, v2  }
0x123: {  	[tilespmem:s20+$0x6040] =	vst v0  }
0x124: {  	[tilespmem:s20+$0x6050] =	vst v0  }
0x125: {  	[tilespmem:s20+$0x6060] =	vst v0  }
0x126: {  	[tilespmem:s20+$0x6070] =	vst v0;
	s30 =	simm.s32 $0x0  }
0x127: {  	v12 =	vld [tilespmem:s30+$0x2000]  }
0x128: {  	v14 =	vld [tilespmem:s30+$0x2010];
	v2, _, _ =	vpop (xrf0)  }
0x129: {  	v11 =	vld [tilespmem:s30+$0x2020];
	v2 =	vadd.f32 $-1.000000000e+00, v2  }
0x12a: {  	v10 =	vld [tilespmem:s30+$0x2030]  }
0x12b: {  	v9 =	vld [tilespmem:s30+$0x2040];
	v2 =	vbroadcast v2, $0xF  }
0x12c: {  	v8 =	vld [tilespmem:s30+$0x2050]  }
0x12d: {  	v6 =	vld [tilespmem:s30+$0x2060];
	vm1 =	vgt.f32 v12, v2;
	vm2 =	vgt.f32 v14, v2  }
0x12e: {  	v7 =	vld [tilespmem:s30+$0x2070];
	vm3 =	vgt.f32 v11, v2;
	vm0 =	vmor vm1, vm2  }
0x12f: {  	vm4 =	vgt.f32 v10, v2;
	vm0 =	vmor vm0, vm3  }
0x130: {  	vm5 =	vgt.f32 v9, v2;
	vm0 =	vmor vm0, vm4  }
0x131: {  	vm6 =	vgt.f32 v8, v2;
	vm0 =	vmor vm0, vm5  }
0x132: {  	vm7 =	vgt.f32 v6, v2;
	vm0 =	vmor vm0, vm6  }
0x133: {  	vm8 =	vmor vm0, vm7;
	vm0 =	vgt.f32 v7, v2  }
0x134: {  	vm8 =	vmor vm8, vm0  }
0x135: {  	v3 =	vmpcnt.ones.xlane vm8;
	_ =	sdelay $0x1  }
0x136: {  	(v2sf) =	vpush v3, $0x0;
	_ =	sdelay $0x9  }
0x137: {  	v19 =	vimm.s32 $0x0;
	v3 =	vsel vm1, $0x1, v1  }
0x138: {  	v21 =	vadd.s32 v3, v19;
	v3 =	vsel vm2, $0x1, v1  }
0x139: {  	v18 =	vadd.s32 v3, v21;
	v3 =	vsel vm3, $0x1, v1  }
0x13a: {  	v17 =	vadd.s32 v3, v18;
	v3 =	vsel vm4, $0x1, v1  }
0x13b: {  	v4 =	vlaneseq.u32;
	v5 =	vsel vm5, $0x1, v1;
	v16 =	vadd.s32 v3, v17  }
0x13c: {  	v13 =	vsel vm6, $0x1, v1;
	v3 =	vadd.s32 $0x80, v4;
	v15 =	vadd.s32 v5, v16;
	s31 =	spop (v2sf)  }
0x13d: {  	v22 =	vsel vm7, $0x1, v1;
	v5 =	vadd.s32 $0x80, v3;
	v13 =	vadd.s32 v13, v15;
	p1 =	slt.s32 s31, $0x1  }
0x13e: {  	vm1 =	vgt.f32 @!p1 v14, v2;
	vm2 =	vgt.f32 @!p1 v12, v2;
	v20 =	vshll.u32 @!p1 v19, $0x4  }
0x13f: {  	s21 =	simm.s32 $0x400;
	s20 =	simm.s32 $0x80;
	v12 =	vadd.s32 v22, v13;
	v14 =	vlaneseq.u32 @!p1;
	v19 =	vshll.u32 @!p1 v21, $0x4  }
.LBB2_18:
0x140: {  	vm3 =	vgt.f32 @!p1 v11, v2;
	v11 =	vor.u32 @!p1 v14, v20;
	v18 =	vshll.u32 @!p1 v18, $0x4;
	s22 =	smov.u32 s21;
	s21 =	sadd.s32 $0x200, s21  }
0x141: {  	vm4 =	vgt.f32 @!p1 v10, v2;
	v10 =	vor.u32 @!p1 v14, v19;
	v17 =	vshll.u32 @!p1 v17, $0x4;
	p0 =	sne.s32 s21, $0x8000  }
0x142: {  	vm5 =	vgt.f32 @!p1 v9, v2;
	v16 =	vshll.u32 @!p1 v16, $0x4;
	v9 =	vor.u32 @!p1 v14, v18  }
0x143: {  	vm6 =	vgt.f32 @!p1 v8, v2;
	s23 =	simm.s32 @!p1 $0x8000;
	v15 =	vshll.u32 @!p1 v15, $0x4;
	s22 =	sshra.s32 s22, $0x2;
	v8 =	vor.u32 @!p1 v14, v17  }
0x144: {  	vm7 =	vgt.f32 @!p1 v6, v2;
	v6 =	vadd.s32 @!p1 $0x10, v4;
	v16 =	vor.u32 @!p1 v14, v16  }
0x145: {  	vm8 =	vgt.f32 @!p1 v7, v2;
	v7 =	vor.u32 @!p1 v14, v15;
	[tilespmem:v11+s23+$0x0] =	vst.idx.msk @!p1 vm2, v4;
	v11 =	vshll.u32 @!p1 v13, $0x4  }
0x146: {  	[tilespmem:v10+s23+$0x0] =	vst.idx.msk @!p1 vm1, v6;
	v6 =	vadd.s32 @!p1 $0x20, v4;
	v10 =	vor.u32 @!p1 v14, v11;
	v11 =	vshll.u32 @!p1 v12, $0x4  }
0x147: {  	[tilespmem:v9+s23+$0x0] =	vst.idx.msk @!p1 vm3, v6;
	v6 =	vadd.s32 @!p1 $0x30, v4;
	v9 =	vor.u32 @!p1 v14, v11  }
0x148: {  	[tilespmem:v8+s23+$0x0] =	vst.idx.msk @!p1 vm4, v6;
	v6 =	vadd.s32 @!p1 $0x40, v4  }
0x149: {  	[tilespmem:v16+s23+$0x0] =	vst.idx.msk @!p1 vm5, v6;
	v6 =	vadd.s32 @!p1 $0x50, v4  }
0x14a: {  	[tilespmem:v7+s23+$0x0] =	vst.idx.msk @!p1 vm6, v6;
	v6 =	vadd.s32 @!p1 $0x60, v4  }
0x14b: {  	v7 =	vsel vm0, $0x1, v1;
	[tilespmem:v10+s23+$0x0] =	vst.idx.msk @!p1 vm7, v6;
	v6 =	vadd.s32 @!p1 $0x70, v4;
	v4 =	vmovc v3;
	v3 =	vmov v5  }
0x14c: {  	v12 =	vadd.s32 v7, v12;
	[tilespmem:v9+s23+$0x0] =	vst.idx.msk @!p1 vm8, v6  }
0x14d: {  	v11 =	vld [tilespmem:s20+$0x2020]  }
0x14e: {  	v14 =	vld [tilespmem:s20+$0x2000]  }
0x14f: {  	v19 =	vld [tilespmem:s20+$0x2010]  }
0x150: {  	v10 =	vld [tilespmem:s20+$0x2030]  }
0x151: {  	v9 =	vld [tilespmem:s20+$0x2040];
	_ =	sdelay $0x1  }
0x152: {  	v8 =	vld [tilespmem:s20+$0x2050]  }
0x153: {  	vm0 =	vgt.f32 v14, v2;
	vm1 =	vgt.f32 v19, v2;
	v6 =	vld [tilespmem:s20+$0x2060]  }
0x154: {  	vm2 =	vgt.f32 v11, v2;
	v13 =	vsel vm0, $0x1, v1;
	vm3 =	vmor vm0, vm1;
	v7 =	vld [tilespmem:s20+$0x2070];
	s20 =	smov.u32 s22  }
0x155: {  	vm4 =	vgt.f32 v10, v2;
	vm0 =	vmor vm3, vm2  }
0x156: {  	vm5 =	vgt.f32 v9, v2;
	vm0 =	vmor vm0, vm4  }
0x157: {  	vm0 =	vmor vm0, vm5;
	vm6 =	vgt.f32 v8, v2  }
0x158: {  	vm0 =	vmor vm0, vm6;
	vm3 =	vgt.f32 v6, v2  }
0x159: {  	vm7 =	vmor vm0, vm3;
	vm0 =	vgt.f32 v7, v2  }
0x15a: {  	vm7 =	vmor vm7, vm0  }
0x15b: {  	v15 =	vmpcnt.ones.xlane vm7;
	_ =	sdelay $0x1  }
0x15c: {  	(v2sf) =	vpush v15, $0x0;
	_ =	sdelay $0xa  }
0x15d: {  	v21 =	vadd.s32 v13, v12;
	v13 =	vsel vm1, $0x1, v1  }
0x15e: {  	v18 =	vadd.s32 v13, v21;
	v13 =	vsel vm2, $0x1, v1  }
0x15f: {  	v17 =	vadd.s32 v13, v18;
	v13 =	vsel vm4, $0x1, v1  }
.Ltmp15:
0x160: {  	v16 =	vadd.s32 v13, v17;
	v13 =	vsel vm5, $0x1, v1;
	(pc) =	sbr.rel @p0 .LBB2_18-.Ltmp15, $4  }
0x161: {  	v15 =	vadd.s32 v13, v16;
	v13 =	vsel vm6, $0x1, v1;
	s22 =	spop (v2sf)  }
0x162: {  	v5 =	vadd.s32 $0x80, v5;
	v22 =	vsel vm3, $0x1, v1;
	v13 =	vadd.s32 v13, v15;
	p1 =	slt.s32 s22, $0x1  }
0x163: {  	vm1 =	vgt.f32 @!p1 v19, v2;
	vm2 =	vgt.f32 @!p1 v14, v2;
	v20 =	vshll.u32 @!p1 v12, $0x4  }
0x164: {  	v12 =	vadd.s32 v22, v13;
	v14 =	vlaneseq.u32 @!p1;
	v19 =	vshll.u32 @!p1 v21, $0x4  }
0x165: {  	vm3 =	vgt.f32 @!p1 v11, v2;
	v5 =	vor.u32 @!p1 v14, v20;
	v11 =	vshll.u32 @!p1 v18, $0x4  }
0x166: {  	vm4 =	vgt.f32 @!p1 v10, v2;
	v10 =	vor.u32 @!p1 v14, v19;
	v17 =	vshll.u32 @!p1 v17, $0x4  }
0x167: {  	vm5 =	vgt.f32 @!p1 v9, v2;
	vm6 =	vgt.f32 @!p1 v8, v2;
	v9 =	vor.u32 @!p1 v14, v11  }
0x168: {  	v15 =	vshll.u32 @!p1 v15, $0x4;
	v11 =	vshll.u32 @!p1 v16, $0x4;
	v8 =	vor.u32 @!p1 v14, v17  }
0x169: {  	s21 =	simm.s32 @!p1 $0x8000;
	vm7 =	vgt.f32 @!p1 v6, v2;
	v6 =	vadd.s32 @!p1 $0x10, v4;
	v11 =	vor.u32 @!p1 v14, v11  }
0x16a: {  	vm8 =	vgt.f32 @!p1 v7, v2;
	v7 =	vshll.u32 @!p1 v13, $0x4;
	[tilespmem:v5+s21+$0x0] =	vst.idx.msk @!p1 vm2, v4;
	v5 =	vor.u32 @!p1 v14, v15  }
0x16b: {  	v7 =	vor.u32 @!p1 v14, v7;
	[tilespmem:v10+s21+$0x0] =	vst.idx.msk @!p1 vm1, v6;
	v6 =	vadd.s32 @!p1 $0x20, v4;
	v10 =	vshll.u32 @!p1 v12, $0x4  }
0x16c: {  	[tilespmem:v9+s21+$0x0] =	vst.idx.msk @!p1 vm3, v6;
	v6 =	vadd.s32 @!p1 $0x30, v4;
	v9 =	vor.u32 @!p1 v14, v10  }
0x16d: {  	[tilespmem:v8+s21+$0x0] =	vst.idx.msk @!p1 vm4, v6;
	v6 =	vadd.s32 @!p1 $0x40, v4  }
0x16e: {  	[tilespmem:v11+s21+$0x0] =	vst.idx.msk @!p1 vm5, v6;
	v6 =	vadd.s32 @!p1 $0x50, v4  }
0x16f: {  	[tilespmem:v5+s21+$0x0] =	vst.idx.msk @!p1 vm6, v6;
	v5 =	vadd.s32 @!p1 $0x60, v4  }
0x170: {  	v4 =	vadd.s32 @!p1 $0x70, v4;
	[tilespmem:v7+s21+$0x0] =	vst.idx.msk @!p1 vm7, v5  }
0x171: {  	[tilespmem:v9+s21+$0x0] =	vst.idx.msk @!p1 vm8, v4  }
0x172: {  	v5 =	vld [tilespmem:s20+$0x2000]  }
0x173: {  	v6 =	vld [tilespmem:s20+$0x2010]  }
0x174: {  	v7 =	vld [tilespmem:s20+$0x2020]  }
0x175: {  	v8 =	vld [tilespmem:s20+$0x2030]  }
0x176: {  	v9 =	vld [tilespmem:s20+$0x2040]  }
0x177: {  	v10 =	vld [tilespmem:s20+$0x2050]  }
0x178: {  	v11 =	vld [tilespmem:s20+$0x2060];
	vm1 =	vgt.f32 v5, v2;
	vm2 =	vgt.f32 v6, v2  }
0x179: {  	v13 =	vld [tilespmem:s20+$0x2070];
	vm4 =	vgt.f32 v7, v2;
	vm11 =	vmor vm1, vm2  }
0x17a: {  	vm5 =	vgt.f32 v8, v2;
	vm3 =	vmor vm11, vm4  }
0x17b: {  	vm6 =	vgt.f32 v9, v2;
	vm3 =	vmor vm3, vm5  }
0x17c: {  	vm12 =	vgt.f32 v10, v2;
	vm3 =	vmor vm3, vm6  }
0x17d: {  	vm13 =	vgt.f32 v11, v2;
	vm3 =	vmor vm3, vm12  }
0x17e: {  	v4 =	vsel vm0, $0x1, v1;
	vm15 =	vgt.f32 v13, v2;
	vm14 =	vmor vm3, vm13  }
0x17f: {  	v12 =	vadd.s32 v4, v12;
	v4 =	vsel vm1, $0x1, v1;
	vm0 =	vmor vm14, vm15  }
0x180: {  	v15 =	vadd.s32 v4, v12;
	v4 =	vsel vm2, $0x1, v1;
	v63 =	vmpcnt.ones.xlane vm0  }
0x181: {  	v16 =	vadd.s32 v4, v15;
	v4 =	vsel vm4, $0x1, v1  }
0x182: {  	v14 =	vadd.s32 v4, v16;
	v4 =	vsel vm5, $0x1, v1;
	(v2sf) =	vpush v63, $0x0  }
0x183: {  	v17 =	vadd.s32 v4, v14;
	v4 =	vsel vm6, $0x1, v1  }
0x184: {  	v18 =	vadd.s32 v4, v17;
	v4 =	vsel vm12, $0x1, v1  }
0x185: {  	v19 =	vadd.s32 v4, v18;
	v4 =	vsel vm13, $0x1, v1  }
0x186: {  	v20 =	vadd.s32 v4, v19;
	v4 =	vsel vm15, $0x1, v1  }
0x187: {  	v4 =	vadd.s32 v4, v20  }
0x188: {  	v21 =	vxor.u32 $0x80000000, v4  }
0x189: {  	(xrf0) =	vmax.scan.msk.u32 $0xffff, v21;
	_ =	sdelay $0x5  }
0x18a: {  	v21, _, _ =	vpop (xrf0)  }
0x18b: {  	(v2sf) =	vpush v21, $0xF  }
0x18c: {  	s30 =	spop (v2sf)  }
0x18d: {  	p0 =	slt.s32 s30, $0x1  }
0x18e: {  	vm0 =	vgt.f32 @!p0 v6, v2;
	vm1 =	vgt.f32 @!p0 v5, v2  }
0x18f: {  	v5 =	vshll.u32 @!p0 v12, $0x4;
	v6 =	vlaneseq.u32 @!p0;
	v12 =	vshll.u32 @!p0 v15, $0x4  }
0x190: {  	vm2 =	vgt.f32 @!p0 v7, v2;
	v7 =	vshll.u32 @!p0 v16, $0x4;
	v5 =	vor.u32 @!p0 v6, v5  }
0x191: {  	vm3 =	vgt.f32 @!p0 v8, v2;
	vm4 =	vgt.f32 @!p0 v9, v2;
	v8 =	vor.u32 @!p0 v6, v12  }
0x192: {  	v9 =	vshll.u32 @!p0 v17, $0x4;
	v12 =	vshll.u32 @!p0 v14, $0x4;
	v7 =	vor.u32 @!p0 v6, v7  }
0x193: {  	vm5 =	vgt.f32 @!p0 v10, v2;
	vm6 =	vgt.f32 @!p0 v11, v2;
	v10 =	vor.u32 @!p0 v6, v12  }
0x194: {  	s21 =	simm.s32 @!p0 $0x8000;
	v11 =	vadd.s32 @!p0 $0x10, v3;
	v9 =	vor.u32 @!p0 v6, v9;
	v12 =	vshll.u32 @!p0 v18, $0x4  }
0x195: {  	vm7 =	vgt.f32 @!p0 v13, v2;
	[tilespmem:v5+s21+$0x0] =	vst.idx.msk @!p0 vm1, v3;
	v5 =	vor.u32 @!p0 v6, v12;
	v12 =	vshll.u32 @!p0 v19, $0x4  }
0x196: {  	[tilespmem:v8+s21+$0x0] =	vst.idx.msk @!p0 vm0, v11;
	v8 =	vadd.s32 @!p0 $0x20, v3;
	v11 =	vor.u32 @!p0 v6, v12;
	v12 =	vshll.u32 @!p0 v20, $0x4  }
0x197: {  	[tilespmem:v7+s21+$0x0] =	vst.idx.msk @!p0 vm2, v8;
	v7 =	vadd.s32 @!p0 $0x30, v3;
	v6 =	vor.u32 @!p0 v6, v12  }
.Ltmp16:
0x198: {  	[tilespmem:v10+s21+$0x0] =	vst.idx.msk @!p0 vm3, v7;
	v7 =	vadd.s32 @!p0 $0x40, v3;
	(pc) =	sbr.rel .LBB2_20-.Ltmp16, $4  }
0x199: {  	[tilespmem:v9+s21+$0x0] =	vst.idx.msk @!p0 vm4, v7;
	v7 =	vadd.s32 @!p0 $0x50, v3  }
0x19a: {  	s31 =	spop (v2sf);
	[tilespmem:v5+s21+$0x0] =	vst.idx.msk @!p0 vm5, v7;
	v5 =	vadd.s32 @!p0 $0x60, v3  }
0x19b: {  	s20 =	sxor.u32 $0x80000000, s31;
	v3 =	vadd.s32 @!p0 $0x70, v3;
	[tilespmem:v11+s21+$0x0] =	vst.idx.msk @!p0 vm6, v5  }
0x19c: {  	[tilespmem:v6+s21+$0x0] =	vst.idx.msk @!p0 vm7, v3;
	s21 =	simm.s32 $0xFFFFFFFF;
	p0 =	slt.s32 s20, $0x1  }
.LBB2_23:
0x19d: {  	vm1 =	vgt.f32 v6, v2  }
0x19e: {  	vm0 =	vmand vm0, vm1  }
0x19f: {  	v2 =	vnsel vm0, $0x0, v6;
	v6 =	vsel vm0, $0x1, v1  }
0x1a0: {  	v3 =	vadd.f32 v2, v3;
	v5 =	vadd.s32 v6, v5  }
.LBB2_24:
0x1a1: {  	(xrf0) =	vadd.scan.msk.s32 $0xffff, v5;
	_ =	sdelay $0x5  }
0x1a2: {  	v2, _, _ =	vpop (xrf0)  }
0x1a3: {  	(v2sf) =	vpush v2, $0xF;
	_ =	sdelay $0x5  }
0x1a4: {  	(xrf2) =	vadd.scan.msk.f32 $0xffff, v3  }
0x1a5: {  	v2 =	vcvt.s32.f32 v2;
	_ =	sdelay $0x1  }
0x1a6: {  	v2 =	vbroadcast v2, $0xF;
	_ =	sdelay $0x1  }
0x1a7: {  	(erf) = vrcp.f32 v2;
	_ =	sdelay $0x3  }
0x1a8: {  	s22 =	spop (v2sf)  }
0x1a9: {  	v2, _, _ =	vpop (xrf2);
	p1 =	seq.s32 s22, s21  }
.Ltmp17:
0x1aa: {  	v2 =	vadd.f32 $-1.000000000e+00, v2;
	(pc) =	sbr.rel @p1 .LBB2_25-.Ltmp17, $4  }
0x1ab: {  	_ = 	snop  }
0x1ac: {  	v2 =	vbroadcast v2, $0xF  }
0x1ad: {  	v3 =	vpop (erf)  }
0x1ae: {  	v2 =	vmul.f32 v3, v2;
	s21 =	smov.u32 s22  }
.LBB2_20:
.Ltmp18:
0x1af: {  	(pc) =	sbr.rel @p0 .LBB2_24-.Ltmp18, $2  }
0x1b0: {  	_ =	sdelay $0x2  }
0x1b1: {  	v3 =	vimm.f32 $0.0e+00;
	v5 =	vimm.s32 $0x0  }
0x1b2: {  	s22 =	simm.s32 $0x8000  }
0x1b3: {  	s23 =	simm.s32 $0x0;
	v6 =	vld [tilespmem:s22+$0x0]  }
0x1b4: {  	v7 =	vmov s23  }
0x1b5: {  	vm1 =	vlt.s32 v7, v4;
	_ =	sdelay $0x4  }
0x1b6: {  	p1 =	sne.s32 s20, $0x1  }
.Ltmp19:
0x1b7: {  	v6 =	vld.idx.msk [tilespmem:v6+s11+$0x0], vm1;
	(pc) =	sbr.rel @!p1 .LBB2_23-.Ltmp19, $2  }
0x1b8: {  	_ =	sdelay $0x2  }
0x1b9: {  	s22 =	simm.s32 $0x1;
	s23 =	simm.s32 $0x8010;
	vm0 =	vmmov vm1  }
.LBB2_22:
0x1ba: {  	v7 =	vld [tilespmem:s23+$0x0];
	s24 =	smov.u32 s22;
	s22 =	sadd.s32 $0x1, s22  }
0x1bb: {  	v8 =	vmov s24;
	p1 =	sne.s32 s20, s22  }
0x1bc: {  	vm1 =	vlt.s32 v8, v4;
	_ =	sdelay $0x1  }
.Ltmp20:
0x1bd: {  	(pc) =	sbr.rel @p1 .LBB2_22-.Ltmp20, $4  }
0x1be: {  	vm2 =	vgt.f32 v6, v2  }
0x1bf: {  	vm2 =	vmand vm0, vm2;
	vm0 =	vmmov vm1  }
0x1c0: {  	v8 =	vnsel vm2, $0x0, v6;
	v9 =	vsel vm2, $0x1, v1  }
0x1c1: {  	s23 =	sadd.s32 $0x10, s23;
	v3 =	vadd.f32 v8, v3;
	v5 =	vadd.s32 v9, v5;
	v6 =	vld.idx.msk [tilespmem:v7+s11+$0x0], vm1  }
.Ltmp21:
0x1c2: {  	_ = 	snop;
	(pc) =	sbr.rel .LBB2_23-.Ltmp21, $1  }
0x1c3: {  	_ =	sdelay $0x3  }
.LBB2_25:
0x1c4: {  	p0 =	sgt.s32 s20, $0x0  }
.Ltmp22:
0x1c5: {  	_ = 	snop;
	(pc) =	sbr.rel @!p0 .LBB2_28-.Ltmp22, $1  }
0x1c6: {  	_ =	sdelay $0x3  }
0x1c7: {  	s21 =	simm.s32 $0x0;
	s22 =	simm.s32 $0x8000  }
.LBB2_27:
0x1c8: {  	v3 =	vld [tilespmem:s22+$0x0]  }
0x1c9: {  	v5 =	vmov s21  }
0x1ca: {  	vm0 =	vlt.s32 v5, v4;
	_ =	sdelay $0x5  }
0x1cb: {  	v5 =	vld.idx.msk [tilespmem:v3+s11+$0x0], vm0;
	_ =	sdelay $0x4  }
0x1cc: {  	vm1 =	vgt.f32 v5, v2  }
0x1cd: {  	s21 =	sadd.s32 $0x1, s21;
	vm0 =	vmand vm0, vm1  }
0x1ce: {  	p0 =	sne.s32 s20, s21  }
.Ltmp23:
0x1cf: {  	_ = 	snop;
	(pc) =	sbr.rel @p0 .LBB2_27-.Ltmp23, $3  }
0x1d0: {  	_ = 	snop  }
0x1d1: {  	v5 =	vsub.f32 v5, v2;
	_ =	sdelay $0x1  }
0x1d2: {  	s22 =	sadd.s32 $0x10, s22;
	[tilespmem:v3+s14+$0x0] =	vst.idx.msk vm0, v5  }
.Ltmp24:
0x1d3: {  	_ = 	snop;
	(pc) =	sbr.rel .LBB2_28-.Ltmp24, $1  }
0x1d4: {  	_ =	sdelay $0x3  }
.LBB2_30:
0x1d5: {  	_ =	sfence.sel $0x180000  }
0x1d6: {  	[bflag:$0x0] =	sbarrier.arrive $0xFFFF  }
0x1d7: {  	p0 =	sne.s32 s2, $0x0;
	_ =	strace $0x90000047  }
0x1d8: {  	s0 =	sadd.s32 @!p0 $0x100000, s0;
	[bflag:$0x2] =	sbarrier.arrive $0xFFFF  }
0x1d9: {  	[sflag:s0] =	ssyncadd.tile.s32 @!p0 $0x1;
	_ =	shalt  }
.Lfunc_end2:
_tile_overlayer_lowered:
.L_overlay_start_2:
0x1da: {  	(tag) =	ssettag $0x2  }
0x1db: {  	s0 =	rddreg [dreg:$0x0];
	s2 =	stileid.u32  }
0x1dc: {  	s1 =	rddreg [dreg:$0x1];
	p0 =	sne.s32 s2, $0x0  }
0x1dd: {  	s3 =	rddreg [dreg:$0x2];
	[bflag:$0x3] =	sbarrier.arrive $0xFFFF;
	s2 =	simm.s32 @!p0 $0x1C05  }
0x1de: {  	[timem:s3], [sflag:s2] =	dma.local @!p0 [hbm:s0], s1  }
0x1df: {  	s0 =	simm.s32 @!p0 $0x5  }
0x1e0: {  	_ =	swait.ge @!p0 [sflag:s0], s1  }
0x1e1: {  	s1 =	ssub.s32 @!p0 $0x0, s1;
	[sflag:s0] =	ssyncset.done @!p0 $0x0  }
0x1e2: {  	[sflag:s0] =	ssyncadd.s32 @!p0 s1  }
0x1e3: {  	[bflag:$0x3] =	sbarrier.arrive $0xFFFF  }
0x1e4: {  	_ =	shalt  }

</sc_bundles>
